<compile_context>
chip_gen: v7x
topology: tpu7x:2x2x1
jax: 0.10.2.dev20260603
libtpu: 0.0.44.dev20260713+nightly
codegen_flags: <defaults>
</compile_context>

<pallas_src>
import jax
import jax.numpy as jnp
from jax import lax
from jax.experimental import pallas as pl
from jax.experimental.pallas import tpu as pltpu
from jax.experimental.pallas import tpu_sc as plsc

NUM_EMBEDDINGS = 1000000
DIM = 32
LANES = 16
NUM_WORKERS = 32
ROW = 128
ROWS_PER_CHUNK = 8
TOTAL = 16384 * 26
ROWS_TOTAL = TOTAL // ROW
ROWS_PER_W = ROWS_TOTAL // NUM_WORKERS
N_CHUNKS = ROWS_PER_W // ROWS_PER_CHUNK


def _emb_body(idx_hbm, table_hbm, out_hbm, idx_v, rows_a, rows_b, sem_a, sem_b):
    wid = lax.axis_index("s") * 2 + lax.axis_index("c")
    r0 = wid * ROWS_PER_W

    pltpu.sync_copy(idx_hbm.at[pl.ds(r0, ROWS_PER_W)], idx_v)

    def fix_row(r, carry):
        for k in range(ROW // LANES):
            v = idx_v[r, pl.ds(k * LANES, LANES)]
            idx_v[r, pl.ds(k * LANES, LANES)] = jnp.minimum(
                jnp.maximum(v - 1, 0), NUM_EMBEDDINGS - 1)
        return carry

    lax.fori_loop(0, ROWS_PER_W, fix_row, 0)

    def fire_chunk(g, buf, sem):
        for j in range(ROWS_PER_CHUNK):
            pltpu.async_copy(
                table_hbm.at[idx_v.at[g * ROWS_PER_CHUNK + j]], buf.at[j], sem)

    def wait_chunk(buf, sem):
        pltpu.make_async_copy(
            out_hbm.at[pl.ds(0, ROWS_PER_CHUNK)], buf, sem).wait()

    def wb_chunk(g, buf):
        pltpu.sync_copy(
            buf, out_hbm.at[pl.ds(r0 + g * ROWS_PER_CHUNK, ROWS_PER_CHUNK)])

    fire_chunk(0, rows_a, sem_a)

    def pair(p, carry):
        g = 2 * p
        fire_chunk(g + 1, rows_b, sem_b)
        wait_chunk(rows_a, sem_a)
        wb_chunk(g, rows_a)
        fire_chunk(g + 2, rows_a, sem_a)
        wait_chunk(rows_b, sem_b)
        wb_chunk(g + 1, rows_b)
        return carry

    lax.fori_loop(0, (N_CHUNKS - 1) // 2, pair, 0)
    wait_chunk(rows_a, sem_a)
    wb_chunk(N_CHUNKS - 1, rows_a)


_emb_call = pl.kernel(
    _emb_body,
    out_type=jax.ShapeDtypeStruct((ROWS_TOTAL, ROW, DIM), jnp.float32),
    mesh=plsc.VectorSubcoreMesh(core_axis_name="c", subcore_axis_name="s"),
    compiler_params=pltpu.CompilerParams(use_tc_tiling_on_sc=False),
    scratch_types=[
        pltpu.VMEM((ROWS_PER_W, ROW), jnp.int32),
        pltpu.VMEM((ROWS_PER_CHUNK, ROW, DIM), jnp.float32),
        pltpu.VMEM((ROWS_PER_CHUNK, ROW, DIM), jnp.float32),
        pltpu.SemaphoreType.DMA,
        pltpu.SemaphoreType.DMA,
    ],
)


@jax.jit
def kernel(x, table):
    idx2d = x.reshape(ROWS_TOTAL, ROW)
    out = _emb_call(idx2d, table)
    return out.reshape(x.shape[0], x.shape[1], DIM)

# --- scband reference (transcript-rebuilt; emitter-appended) ---
"""Pipeline reference for scband-embedding-minus1-12841952215471 (READ-ONLY COPY).

The authoritative reference and input builder live on the scoring server;
editing this copy changes nothing except your own understanding.
"""

import jax, jax.numpy as jnp
import numpy as np

NUM_EMBEDDINGS = 1000000
EMBEDDING_DIM = 32
BATCH = 16384
N_FIELDS = 26


def setup_inputs(seed: int = 0) -> dict:
    key = jax.random.key(seed)
    k_idx, k_tab = jax.random.split(key)
    x = jax.random.randint(k_idx, (BATCH, N_FIELDS), 0, NUM_EMBEDDINGS, dtype=jnp.int32)
    # nn.Embedding default init: N(0, 1)
    table = jax.random.normal(k_tab, (NUM_EMBEDDINGS, EMBEDDING_DIM), dtype=jnp.float32)
    return {"x": x, "table": table}


def reference(x, table):
    # Faithful to: self.emb_model(x - 1)
    idx = x - 1
    return jnp.take(table, idx, axis=0, mode="clip")

if __name__ == "__main__":
    import jax
    _d = setup_inputs()
    print(jax.jit(kernel)(*tuple(_d.values())))

</pallas_src>

<mosaic_0001>
#map = affine_map<(d0, d1) -> (0, 0)>
#map1 = affine_map<(d0, d1) -> (0, 0, 0)>
module attributes {stable_mosaic.version = 14 : i64} {
  func.func @_emb_body(%arg0: i32, %arg1: i32, %arg2: memref<3328x128xi32, #tpu.memory_space<hbm>>, %arg3: memref<1000000x32xf32, #tpu.memory_space<hbm>>, %arg4: memref<3328x128x32xf32, #tpu.memory_space<hbm>>, %arg5: memref<104x128xi32, #tpu.memory_space<vmem>>, %arg6: memref<8x128x32xf32, #tpu.memory_space<vmem>>, %arg7: memref<8x128x32xf32, #tpu.memory_space<vmem>>, %arg8: memref<!tpu.dma_semaphore, #tpu.memory_space<semaphore_mem>>, %arg9: memref<!tpu.dma_semaphore, #tpu.memory_space<semaphore_mem>>) attributes {dimension_semantics = [#tpu.dimension_semantics<core_parallel>, #tpu.dimension_semantics<subcore_parallel>], iteration_bounds = array<i64: 2, 16>, scalar_prefetch = 0 : i64, scratch_operands = 5 : i64, tpu.core_type = #tpu.core_type<sc_vector_subcore>, window_params = [{transform_indices = #map}, {transform_indices = #map}, {transform_indices = #map1}]} {
    %mul3A = arith.constant 2 : i32
    %mul3A_0 = arith.muli %arg1, %mul3A : i32
    %add3A = arith.addi %mul3A_0, %arg0 : i32
    %mul3A_1 = arith.constant 104 : i32
    %mul3A_2 = arith.muli %add3A, %mul3A_1 : i32
    "tpu.region"() ({
      %run_scoped3A = tpu.sem_alloc : memref<!tpu.dma_semaphore, #tpu.memory_space<semaphore_mem>>
      %dma_start3A_118 = arith.constant 0 : i32
      %dma_start3A_119 = tpu.memref_slice %arg2[%mul3A_2, %dma_start3A_118] : memref<3328x128xi32, #tpu.memory_space<hbm>> -> memref<104x128xi32, #tpu.memory_space<hbm>>
      %dma_start3A_120 = arith.constant 0 : i32
      %dma_start3A_121 = tpu.memref_slice %arg2[%mul3A_2, %dma_start3A_120] : memref<3328x128xi32, #tpu.memory_space<hbm>> -> memref<104x128xi32, #tpu.memory_space<hbm>>
      tpu.enqueue_dma source(%dma_start3A_121 : memref<104x128xi32, #tpu.memory_space<hbm>>) target(%arg5 : memref<104x128xi32, #tpu.memory_space<vmem>>) target_semaphore(%run_scoped3A : memref<!tpu.dma_semaphore, #tpu.memory_space<semaphore_mem>>)
      %dma_wait3A_122 = arith.constant 0 : i32
      %dma_wait3A_123 = tpu.memref_slice %arg2[%mul3A_2, %dma_wait3A_122] : memref<3328x128xi32, #tpu.memory_space<hbm>> -> memref<104x128xi32, #tpu.memory_space<hbm>>
      %dma_wait3A_124 = arith.constant 0 : i32
      %dma_wait3A_125 = tpu.memref_slice %arg2[%mul3A_2, %dma_wait3A_124] : memref<3328x128xi32, #tpu.memory_space<hbm>> -> memref<104x128xi32, #tpu.memory_space<hbm>>
      tpu.wait_dma2 semaphore(%run_scoped3A : memref<!tpu.dma_semaphore, #tpu.memory_space<semaphore_mem>>) src(%dma_wait3A_125 : memref<104x128xi32, #tpu.memory_space<hbm>>) dst(%arg5 : memref<104x128xi32, #tpu.memory_space<vmem>>)
      tpu.yield
    }) : () -> ()
    %scan3A = arith.constant 0 : i32
    %scan3A_3 = arith.constant 0 : i32
    %scan3A_4 = arith.constant 104 : i32
    %scan3A_5 = arith.addi %scan3A_3, %scan3A_4 : i32
    %scan3A_6 = arith.constant 1 : i32
    scf.for %scan3A_118 = %scan3A_3 to %scan3A_5 step %scan3A_6  : i32 {
      %get3A = arith.index_cast %scan3A_118 : i32 to index
      %get3A_119 = arith.constant 0 : index
      %get3A_120 = tpu.vector_load %arg5[%get3A, %get3A_119] {strides = array<i32>} : memref<104x128xi32, #tpu.memory_space<vmem>>, vector<1x16xi32>,
      %get3A_121 = vector.shape_cast %get3A_120 : vector<1x16xi32> to vector<16xi32>
      %sub3A = arith.constant 1 : i32
      %sub3A_122 = vector.broadcast %sub3A : i32 to vector<16xi32>
      %sub3A_123 = arith.subi %get3A_121, %sub3A_122 : vector<16xi32>
      %max3A = arith.constant 0 : i32
      %max3A_124 = vector.broadcast %max3A : i32 to vector<16xi32>
      %max3A_125 = arith.maxsi %sub3A_123, %max3A_124 : vector<16xi32>
      %min3A = arith.constant 999999 : i32
      %min3A_126 = vector.broadcast %min3A : i32 to vector<16xi32>
      %min3A_127 = arith.minsi %max3A_125, %min3A_126 : vector<16xi32>
      %swap3A = arith.index_cast %scan3A_118 : i32 to index
      %swap3A_128 = arith.constant 0 : index
      %swap3A_129 = tpu.vector_load %arg5[%swap3A, %swap3A_128] {strides = array<i32>} : memref<104x128xi32, #tpu.memory_space<vmem>>, vector<1x16xi32>,
      %swap3A_130 = vector.shape_cast %swap3A_129 : vector<1x16xi32> to vector<16xi32>
      %swap3A_131 = vector.shape_cast %min3A_127 : vector<16xi32> to vector<1x16xi32>
      tpu.vector_store %arg5[%swap3A, %swap3A_128], %swap3A_131 {strides = array<i32>} : memref<104x128xi32, #tpu.memory_space<vmem>>, vector<1x16xi32>,
      %get3A_132 = arith.index_cast %scan3A_118 : i32 to index
      %get3A_133 = arith.constant 16 : index
      %get3A_134 = tpu.vector_load %arg5[%get3A_132, %get3A_133] {strides = array<i32>} : memref<104x128xi32, #tpu.memory_space<vmem>>, vector<1x16xi32>,
      %get3A_135 = vector.shape_cast %get3A_134 : vector<1x16xi32> to vector<16xi32>
      %sub3A_136 = arith.constant 1 : i32
      %sub3A_137 = vector.broadcast %sub3A_136 : i32 to vector<16xi32>
      %sub3A_138 = arith.subi %get3A_135, %sub3A_137 : vector<16xi32>
      %max3A_139 = arith.constant 0 : i32
      %max3A_140 = vector.broadcast %max3A_139 : i32 to vector<16xi32>
      %max3A_141 = arith.maxsi %sub3A_138, %max3A_140 : vector<16xi32>
      %min3A_142 = arith.constant 999999 : i32
      %min3A_143 = vector.broadcast %min3A_142 : i32 to vector<16xi32>
      %min3A_144 = arith.minsi %max3A_141, %min3A_143 : vector<16xi32>
      %swap3A_145 = arith.index_cast %scan3A_118 : i32 to index
      %swap3A_146 = arith.constant 16 : index
      %swap3A_147 = tpu.vector_load %arg5[%swap3A_145, %swap3A_146] {strides = array<i32>} : memref<104x128xi32, #tpu.memory_space<vmem>>, vector<1x16xi32>,
      %swap3A_148 = vector.shape_cast %swap3A_147 : vector<1x16xi32> to vector<16xi32>
      %swap3A_149 = vector.shape_cast %min3A_144 : vector<16xi32> to vector<1x16xi32>
      tpu.vector_store %arg5[%swap3A_145, %swap3A_146], %swap3A_149 {strides = array<i32>} : memref<104x128xi32, #tpu.memory_space<vmem>>, vector<1x16xi32>,
      %get3A_150 = arith.index_cast %scan3A_118 : i32 to index
      %get3A_151 = arith.constant 32 : index
      %get3A_152 = tpu.vector_load %arg5[%get3A_150, %get3A_151] {strides = array<i32>} : memref<104x128xi32, #tpu.memory_space<vmem>>, vector<1x16xi32>,
      %get3A_153 = vector.shape_cast %get3A_152 : vector<1x16xi32> to vector<16xi32>
      %sub3A_154 = arith.constant 1 : i32
      %sub3A_155 = vector.broadcast %sub3A_154 : i32 to vector<16xi32>
      %sub3A_156 = arith.subi %get3A_153, %sub3A_155 : vector<16xi32>
      %max3A_157 = arith.constant 0 : i32
      %max3A_158 = vector.broadcast %max3A_157 : i32 to vector<16xi32>
      %max3A_159 = arith.maxsi %sub3A_156, %max3A_158 : vector<16xi32>
      %min3A_160 = arith.constant 999999 : i32
      %min3A_161 = vector.broadcast %min3A_160 : i32 to vector<16xi32>
      %min3A_162 = arith.minsi %max3A_159, %min3A_161 : vector<16xi32>
      %swap3A_163 = arith.index_cast %scan3A_118 : i32 to index
      %swap3A_164 = arith.constant 32 : index
      %swap3A_165 = tpu.vector_load %arg5[%swap3A_163, %swap3A_164] {strides = array<i32>} : memref<104x128xi32, #tpu.memory_space<vmem>>, vector<1x16xi32>,
      %swap3A_166 = vector.shape_cast %swap3A_165 : vector<1x16xi32> to vector<16xi32>
      %swap3A_167 = vector.shape_cast %min3A_162 : vector<16xi32> to vector<1x16xi32>
      tpu.vector_store %arg5[%swap3A_163, %swap3A_164], %swap3A_167 {strides = array<i32>} : memref<104x128xi32, #tpu.memory_space<vmem>>, vector<1x16xi32>,
      %get3A_168 = arith.index_cast %scan3A_118 : i32 to index
      %get3A_169 = arith.constant 48 : index
      %get3A_170 = tpu.vector_load %arg5[%get3A_168, %get3A_169] {strides = array<i32>} : memref<104x128xi32, #tpu.memory_space<vmem>>, vector<1x16xi32>,
      %get3A_171 = vector.shape_cast %get3A_170 : vector<1x16xi32> to vector<16xi32>
      %sub3A_172 = arith.constant 1 : i32
      %sub3A_173 = vector.broadcast %sub3A_172 : i32 to vector<16xi32>
      %sub3A_174 = arith.subi %get3A_171, %sub3A_173 : vector<16xi32>
      %max3A_175 = arith.constant 0 : i32
      %max3A_176 = vector.broadcast %max3A_175 : i32 to vector<16xi32>
      %max3A_177 = arith.maxsi %sub3A_174, %max3A_176 : vector<16xi32>
      %min3A_178 = arith.constant 999999 : i32
      %min3A_179 = vector.broadcast %min3A_178 : i32 to vector<16xi32>
      %min3A_180 = arith.minsi %max3A_177, %min3A_179 : vector<16xi32>
      %swap3A_181 = arith.index_cast %scan3A_118 : i32 to index
      %swap3A_182 = arith.constant 48 : index
      %swap3A_183 = tpu.vector_load %arg5[%swap3A_181, %swap3A_182] {strides = array<i32>} : memref<104x128xi32, #tpu.memory_space<vmem>>, vector<1x16xi32>,
      %swap3A_184 = vector.shape_cast %swap3A_183 : vector<1x16xi32> to vector<16xi32>
      %swap3A_185 = vector.shape_cast %min3A_180 : vector<16xi32> to vector<1x16xi32>
      tpu.vector_store %arg5[%swap3A_181, %swap3A_182], %swap3A_185 {strides = array<i32>} : memref<104x128xi32, #tpu.memory_space<vmem>>, vector<1x16xi32>,
      %get3A_186 = arith.index_cast %scan3A_118 : i32 to index
      %get3A_187 = arith.constant 64 : index
      %get3A_188 = tpu.vector_load %arg5[%get3A_186, %get3A_187] {strides = array<i32>} : memref<104x128xi32, #tpu.memory_space<vmem>>, vector<1x16xi32>,
      %get3A_189 = vector.shape_cast %get3A_188 : vector<1x16xi32> to vector<16xi32>
      %sub3A_190 = arith.constant 1 : i32
      %sub3A_191 = vector.broadcast %sub3A_190 : i32 to vector<16xi32>
      %sub3A_192 = arith.subi %get3A_189, %sub3A_191 : vector<16xi32>
      %max3A_193 = arith.constant 0 : i32
      %max3A_194 = vector.broadcast %max3A_193 : i32 to vector<16xi32>
      %max3A_195 = arith.maxsi %sub3A_192, %max3A_194 : vector<16xi32>
      %min3A_196 = arith.constant 999999 : i32
      %min3A_197 = vector.broadcast %min3A_196 : i32 to vector<16xi32>
      %min3A_198 = arith.minsi %max3A_195, %min3A_197 : vector<16xi32>
      %swap3A_199 = arith.index_cast %scan3A_118 : i32 to index
      %swap3A_200 = arith.constant 64 : index
      %swap3A_201 = tpu.vector_load %arg5[%swap3A_199, %swap3A_200] {strides = array<i32>} : memref<104x128xi32, #tpu.memory_space<vmem>>, vector<1x16xi32>,
      %swap3A_202 = vector.shape_cast %swap3A_201 : vector<1x16xi32> to vector<16xi32>
      %swap3A_203 = vector.shape_cast %min3A_198 : vector<16xi32> to vector<1x16xi32>
      tpu.vector_store %arg5[%swap3A_199, %swap3A_200], %swap3A_203 {strides = array<i32>} : memref<104x128xi32, #tpu.memory_space<vmem>>, vector<1x16xi32>,
      %get3A_204 = arith.index_cast %scan3A_118 : i32 to index
      %get3A_205 = arith.constant 80 : index
      %get3A_206 = tpu.vector_load %arg5[%get3A_204, %get3A_205] {strides = array<i32>} : memref<104x128xi32, #tpu.memory_space<vmem>>, vector<1x16xi32>,
      %get3A_207 = vector.shape_cast %get3A_206 : vector<1x16xi32> to vector<16xi32>
      %sub3A_208 = arith.constant 1 : i32
      %sub3A_209 = vector.broadcast %sub3A_208 : i32 to vector<16xi32>
      %sub3A_210 = arith.subi %get3A_207, %sub3A_209 : vector<16xi32>
      %max3A_211 = arith.constant 0 : i32
      %max3A_212 = vector.broadcast %max3A_211 : i32 to vector<16xi32>
      %max3A_213 = arith.maxsi %sub3A_210, %max3A_212 : vector<16xi32>
      %min3A_214 = arith.constant 999999 : i32
      %min3A_215 = vector.broadcast %min3A_214 : i32 to vector<16xi32>
      %min3A_216 = arith.minsi %max3A_213, %min3A_215 : vector<16xi32>
      %swap3A_217 = arith.index_cast %scan3A_118 : i32 to index
      %swap3A_218 = arith.constant 80 : index
      %swap3A_219 = tpu.vector_load %arg5[%swap3A_217, %swap3A_218] {strides = array<i32>} : memref<104x128xi32, #tpu.memory_space<vmem>>, vector<1x16xi32>,
      %swap3A_220 = vector.shape_cast %swap3A_219 : vector<1x16xi32> to vector<16xi32>
      %swap3A_221 = vector.shape_cast %min3A_216 : vector<16xi32> to vector<1x16xi32>
      tpu.vector_store %arg5[%swap3A_217, %swap3A_218], %swap3A_221 {strides = array<i32>} : memref<104x128xi32, #tpu.memory_space<vmem>>, vector<1x16xi32>,
      %get3A_222 = arith.index_cast %scan3A_118 : i32 to index
      %get3A_223 = arith.constant 96 : index
      %get3A_224 = tpu.vector_load %arg5[%get3A_222, %get3A_223] {strides = array<i32>} : memref<104x128xi32, #tpu.memory_space<vmem>>, vector<1x16xi32>,
      %get3A_225 = vector.shape_cast %get3A_224 : vector<1x16xi32> to vector<16xi32>
      %sub3A_226 = arith.constant 1 : i32
      %sub3A_227 = vector.broadcast %sub3A_226 : i32 to vector<16xi32>
      %sub3A_228 = arith.subi %get3A_225, %sub3A_227 : vector<16xi32>
      %max3A_229 = arith.constant 0 : i32
      %max3A_230 = vector.broadcast %max3A_229 : i32 to vector<16xi32>
      %max3A_231 = arith.maxsi %sub3A_228, %max3A_230 : vector<16xi32>
      %min3A_232 = arith.constant 999999 : i32
      %min3A_233 = vector.broadcast %min3A_232 : i32 to vector<16xi32>
      %min3A_234 = arith.minsi %max3A_231, %min3A_233 : vector<16xi32>
      %swap3A_235 = arith.index_cast %scan3A_118 : i32 to index
      %swap3A_236 = arith.constant 96 : index
      %swap3A_237 = tpu.vector_load %arg5[%swap3A_235, %swap3A_236] {strides = array<i32>} : memref<104x128xi32, #tpu.memory_space<vmem>>, vector<1x16xi32>,
      %swap3A_238 = vector.shape_cast %swap3A_237 : vector<1x16xi32> to vector<16xi32>
      %swap3A_239 = vector.shape_cast %min3A_234 : vector<16xi32> to vector<1x16xi32>
      tpu.vector_store %arg5[%swap3A_235, %swap3A_236], %swap3A_239 {strides = array<i32>} : memref<104x128xi32, #tpu.memory_space<vmem>>, vector<1x16xi32>,
      %get3A_240 = arith.index_cast %scan3A_118 : i32 to index
      %get3A_241 = arith.constant 112 : index
      %get3A_242 = tpu.vector_load %arg5[%get3A_240, %get3A_241] {strides = array<i32>} : memref<104x128xi32, #tpu.memory_space<vmem>>, vector<1x16xi32>,
      %get3A_243 = vector.shape_cast %get3A_242 : vector<1x16xi32> to vector<16xi32>
      %sub3A_244 = arith.constant 1 : i32
      %sub3A_245 = vector.broadcast %sub3A_244 : i32 to vector<16xi32>
      %sub3A_246 = arith.subi %get3A_243, %sub3A_245 : vector<16xi32>
      %max3A_247 = arith.constant 0 : i32
      %max3A_248 = vector.broadcast %max3A_247 : i32 to vector<16xi32>
      %max3A_249 = arith.maxsi %sub3A_246, %max3A_248 : vector<16xi32>
      %min3A_250 = arith.constant 999999 : i32
      %min3A_251 = vector.broadcast %min3A_250 : i32 to vector<16xi32>
      %min3A_252 = arith.minsi %max3A_249, %min3A_251 : vector<16xi32>
      %swap3A_253 = arith.index_cast %scan3A_118 : i32 to index
      %swap3A_254 = arith.constant 112 : index
      %swap3A_255 = tpu.vector_load %arg5[%swap3A_253, %swap3A_254] {strides = array<i32>} : memref<104x128xi32, #tpu.memory_space<vmem>>, vector<1x16xi32>,
      %swap3A_256 = vector.shape_cast %swap3A_255 : vector<1x16xi32> to vector<16xi32>
      %swap3A_257 = vector.shape_cast %min3A_252 : vector<16xi32> to vector<1x16xi32>
      tpu.vector_store %arg5[%swap3A_253, %swap3A_254], %swap3A_257 {strides = array<i32>} : memref<104x128xi32, #tpu.memory_space<vmem>>, vector<1x16xi32>,
    }
    %scan3A_7 = arith.constant 104 : i32
    %dma_start3A = arith.constant 0 : i32
    %dma_start3A_8 = arith.constant 0 : i32
    %dma_start3A_9 = arith.constant 0 : i32
    %dma_start3A_10 = arith.constant 0 : i32
    %dma_start3A_11 = tpu.memref_slice %arg6[%dma_start3A_8, %dma_start3A_9, %dma_start3A_10] : memref<8x128x32xf32, #tpu.memory_space<vmem>> -> memref<1x128x32xf32, #tpu.memory_space<vmem>>
    %dma_start3A_12 = tpu.memref_squeeze %dma_start3A_11 : memref<1x128x32xf32, #tpu.memory_space<vmem>> -> memref<128x32xf32, #tpu.memory_space<vmem>>
    %dma_start3A_13 = arith.constant 0 : i32
    %dma_start3A_14 = tpu.memref_slice %arg5[%dma_start3A, %dma_start3A_13] : memref<104x128xi32, #tpu.memory_space<vmem>> -> memref<1x128xi32, #tpu.memory_space<vmem>>
    %dma_start3A_15 = tpu.memref_squeeze %dma_start3A_14 : memref<1x128xi32, #tpu.memory_space<vmem>> -> memref<128xi32, #tpu.memory_space<vmem>>
    %dma_start3A_16 = arith.constant 0 : i32
    %dma_start3A_17 = arith.constant 0 : i32
    %dma_start3A_18 = tpu.memref_slice %arg3[%dma_start3A_16, %dma_start3A_17] : memref<1000000x32xf32, #tpu.memory_space<hbm>> -> memref<1000000x32xf32, #tpu.memory_space<hbm>>
    tpu.enqueue_indirect_dma source(%dma_start3A_18 : memref<1000000x32xf32, #tpu.memory_space<hbm>>) target(%dma_start3A_12 : memref<128x32xf32, #tpu.memory_space<vmem>>) offsets(%dma_start3A_15 : memref<128xi32, #tpu.memory_space<vmem>>) semaphore(%arg8 : memref<!tpu.dma_semaphore, #tpu.memory_space<semaphore_mem>>)
    %dma_start3A_19 = arith.constant 1 : i32
    %dma_start3A_20 = arith.constant 1 : i32
    %dma_start3A_21 = arith.constant 0 : i32
    %dma_start3A_22 = arith.constant 0 : i32
    %dma_start3A_23 = tpu.memref_slice %arg6[%dma_start3A_20, %dma_start3A_21, %dma_start3A_22] : memref<8x128x32xf32, #tpu.memory_space<vmem>> -> memref<1x128x32xf32, #tpu.memory_space<vmem>>
    %dma_start3A_24 = tpu.memref_squeeze %dma_start3A_23 : memref<1x128x32xf32, #tpu.memory_space<vmem>> -> memref<128x32xf32, #tpu.memory_space<vmem>>
    %dma_start3A_25 = arith.constant 0 : i32
    %dma_start3A_26 = tpu.memref_slice %arg5[%dma_start3A_19, %dma_start3A_25] : memref<104x128xi32, #tpu.memory_space<vmem>> -> memref<1x128xi32, #tpu.memory_space<vmem>>
    %dma_start3A_27 = tpu.memref_squeeze %dma_start3A_26 : memref<1x128xi32, #tpu.memory_space<vmem>> -> memref<128xi32, #tpu.memory_space<vmem>>
    %dma_start3A_28 = arith.constant 0 : i32
    %dma_start3A_29 = arith.constant 0 : i32
    %dma_start3A_30 = tpu.memref_slice %arg3[%dma_start3A_28, %dma_start3A_29] : memref<1000000x32xf32, #tpu.memory_space<hbm>> -> memref<1000000x32xf32, #tpu.memory_space<hbm>>
    tpu.enqueue_indirect_dma source(%dma_start3A_30 : memref<1000000x32xf32, #tpu.memory_space<hbm>>) target(%dma_start3A_24 : memref<128x32xf32, #tpu.memory_space<vmem>>) offsets(%dma_start3A_27 : memref<128xi32, #tpu.memory_space<vmem>>) semaphore(%arg8 : memref<!tpu.dma_semaphore, #tpu.memory_space<semaphore_mem>>)
    %dma_start3A_31 = arith.constant 2 : i32
    %dma_start3A_32 = arith.constant 2 : i32
    %dma_start3A_33 = arith.constant 0 : i32
    %dma_start3A_34 = arith.constant 0 : i32
    %dma_start3A_35 = tpu.memref_slice %arg6[%dma_start3A_32, %dma_start3A_33, %dma_start3A_34] : memref<8x128x32xf32, #tpu.memory_space<vmem>> -> memref<1x128x32xf32, #tpu.memory_space<vmem>>
    %dma_start3A_36 = tpu.memref_squeeze %dma_start3A_35 : memref<1x128x32xf32, #tpu.memory_space<vmem>> -> memref<128x32xf32, #tpu.memory_space<vmem>>
    %dma_start3A_37 = arith.constant 0 : i32
    %dma_start3A_38 = tpu.memref_slice %arg5[%dma_start3A_31, %dma_start3A_37] : memref<104x128xi32, #tpu.memory_space<vmem>> -> memref<1x128xi32, #tpu.memory_space<vmem>>
    %dma_start3A_39 = tpu.memref_squeeze %dma_start3A_38 : memref<1x128xi32, #tpu.memory_space<vmem>> -> memref<128xi32, #tpu.memory_space<vmem>>
    %dma_start3A_40 = arith.constant 0 : i32
    %dma_start3A_41 = arith.constant 0 : i32
    %dma_start3A_42 = tpu.memref_slice %arg3[%dma_start3A_40, %dma_start3A_41] : memref<1000000x32xf32, #tpu.memory_space<hbm>> -> memref<1000000x32xf32, #tpu.memory_space<hbm>>
    tpu.enqueue_indirect_dma source(%dma_start3A_42 : memref<1000000x32xf32, #tpu.memory_space<hbm>>) target(%dma_start3A_36 : memref<128x32xf32, #tpu.memory_space<vmem>>) offsets(%dma_start3A_39 : memref<128xi32, #tpu.memory_space<vmem>>) semaphore(%arg8 : memref<!tpu.dma_semaphore, #tpu.memory_space<semaphore_mem>>)
    %dma_start3A_43 = arith.constant 3 : i32
    %dma_start3A_44 = arith.constant 3 : i32
    %dma_start3A_45 = arith.constant 0 : i32
    %dma_start3A_46 = arith.constant 0 : i32
    %dma_start3A_47 = tpu.memref_slice %arg6[%dma_start3A_44, %dma_start3A_45, %dma_start3A_46] : memref<8x128x32xf32, #tpu.memory_space<vmem>> -> memref<1x128x32xf32, #tpu.memory_space<vmem>>
    %dma_start3A_48 = tpu.memref_squeeze %dma_start3A_47 : memref<1x128x32xf32, #tpu.memory_space<vmem>> -> memref<128x32xf32, #tpu.memory_space<vmem>>
    %dma_start3A_49 = arith.constant 0 : i32
    %dma_start3A_50 = tpu.memref_slice %arg5[%dma_start3A_43, %dma_start3A_49] : memref<104x128xi32, #tpu.memory_space<vmem>> -> memref<1x128xi32, #tpu.memory_space<vmem>>
    %dma_start3A_51 = tpu.memref_squeeze %dma_start3A_50 : memref<1x128xi32, #tpu.memory_space<vmem>> -> memref<128xi32, #tpu.memory_space<vmem>>
    %dma_start3A_52 = arith.constant 0 : i32
    %dma_start3A_53 = arith.constant 0 : i32
    %dma_start3A_54 = tpu.memref_slice %arg3[%dma_start3A_52, %dma_start3A_53] : memref<1000000x32xf32, #tpu.memory_space<hbm>> -> memref<1000000x32xf32, #tpu.memory_space<hbm>>
    tpu.enqueue_indirect_dma source(%dma_start3A_54 : memref<1000000x32xf32, #tpu.memory_space<hbm>>) target(%dma_start3A_48 : memref<128x32xf32, #tpu.memory_space<vmem>>) offsets(%dma_start3A_51 : memref<128xi32, #tpu.memory_space<vmem>>) semaphore(%arg8 : memref<!tpu.dma_semaphore, #tpu.memory_space<semaphore_mem>>)
    %dma_start3A_55 = arith.constant 4 : i32
    %dma_start3A_56 = arith.constant 4 : i32
    %dma_start3A_57 = arith.constant 0 : i32
    %dma_start3A_58 = arith.constant 0 : i32
    %dma_start3A_59 = tpu.memref_slice %arg6[%dma_start3A_56, %dma_start3A_57, %dma_start3A_58] : memref<8x128x32xf32, #tpu.memory_space<vmem>> -> memref<1x128x32xf32, #tpu.memory_space<vmem>>
    %dma_start3A_60 = tpu.memref_squeeze %dma_start3A_59 : memref<1x128x32xf32, #tpu.memory_space<vmem>> -> memref<128x32xf32, #tpu.memory_space<vmem>>
    %dma_start3A_61 = arith.constant 0 : i32
    %dma_start3A_62 = tpu.memref_slice %arg5[%dma_start3A_55, %dma_start3A_61] : memref<104x128xi32, #tpu.memory_space<vmem>> -> memref<1x128xi32, #tpu.memory_space<vmem>>
    %dma_start3A_63 = tpu.memref_squeeze %dma_start3A_62 : memref<1x128xi32, #tpu.memory_space<vmem>> -> memref<128xi32, #tpu.memory_space<vmem>>
    %dma_start3A_64 = arith.constant 0 : i32
    %dma_start3A_65 = arith.constant 0 : i32
    %dma_start3A_66 = tpu.memref_slice %arg3[%dma_start3A_64, %dma_start3A_65] : memref<1000000x32xf32, #tpu.memory_space<hbm>> -> memref<1000000x32xf32, #tpu.memory_space<hbm>>
    tpu.enqueue_indirect_dma source(%dma_start3A_66 : memref<1000000x32xf32, #tpu.memory_space<hbm>>) target(%dma_start3A_60 : memref<128x32xf32, #tpu.memory_space<vmem>>) offsets(%dma_start3A_63 : memref<128xi32, #tpu.memory_space<vmem>>) semaphore(%arg8 : memref<!tpu.dma_semaphore, #tpu.memory_space<semaphore_mem>>)
    %dma_start3A_67 = arith.constant 5 : i32
    %dma_start3A_68 = arith.constant 5 : i32
    %dma_start3A_69 = arith.constant 0 : i32
    %dma_start3A_70 = arith.constant 0 : i32
    %dma_start3A_71 = tpu.memref_slice %arg6[%dma_start3A_68, %dma_start3A_69, %dma_start3A_70] : memref<8x128x32xf32, #tpu.memory_space<vmem>> -> memref<1x128x32xf32, #tpu.memory_space<vmem>>
    %dma_start3A_72 = tpu.memref_squeeze %dma_start3A_71 : memref<1x128x32xf32, #tpu.memory_space<vmem>> -> memref<128x32xf32, #tpu.memory_space<vmem>>
    %dma_start3A_73 = arith.constant 0 : i32
    %dma_start3A_74 = tpu.memref_slice %arg5[%dma_start3A_67, %dma_start3A_73] : memref<104x128xi32, #tpu.memory_space<vmem>> -> memref<1x128xi32, #tpu.memory_space<vmem>>
    %dma_start3A_75 = tpu.memref_squeeze %dma_start3A_74 : memref<1x128xi32, #tpu.memory_space<vmem>> -> memref<128xi32, #tpu.memory_space<vmem>>
    %dma_start3A_76 = arith.constant 0 : i32
    %dma_start3A_77 = arith.constant 0 : i32
    %dma_start3A_78 = tpu.memref_slice %arg3[%dma_start3A_76, %dma_start3A_77] : memref<1000000x32xf32, #tpu.memory_space<hbm>> -> memref<1000000x32xf32, #tpu.memory_space<hbm>>
    tpu.enqueue_indirect_dma source(%dma_start3A_78 : memref<1000000x32xf32, #tpu.memory_space<hbm>>) target(%dma_start3A_72 : memref<128x32xf32, #tpu.memory_space<vmem>>) offsets(%dma_start3A_75 : memref<128xi32, #tpu.memory_space<vmem>>) semaphore(%arg8 : memref<!tpu.dma_semaphore, #tpu.memory_space<semaphore_mem>>)
    %dma_start3A_79 = arith.constant 6 : i32
    %dma_start3A_80 = arith.constant 6 : i32
    %dma_start3A_81 = arith.constant 0 : i32
    %dma_start3A_82 = arith.constant 0 : i32
    %dma_start3A_83 = tpu.memref_slice %arg6[%dma_start3A_80, %dma_start3A_81, %dma_start3A_82] : memref<8x128x32xf32, #tpu.memory_space<vmem>> -> memref<1x128x32xf32, #tpu.memory_space<vmem>>
    %dma_start3A_84 = tpu.memref_squeeze %dma_start3A_83 : memref<1x128x32xf32, #tpu.memory_space<vmem>> -> memref<128x32xf32, #tpu.memory_space<vmem>>
    %dma_start3A_85 = arith.constant 0 : i32
    %dma_start3A_86 = tpu.memref_slice %arg5[%dma_start3A_79, %dma_start3A_85] : memref<104x128xi32, #tpu.memory_space<vmem>> -> memref<1x128xi32, #tpu.memory_space<vmem>>
    %dma_start3A_87 = tpu.memref_squeeze %dma_start3A_86 : memref<1x128xi32, #tpu.memory_space<vmem>> -> memref<128xi32, #tpu.memory_space<vmem>>
    %dma_start3A_88 = arith.constant 0 : i32
    %dma_start3A_89 = arith.constant 0 : i32
    %dma_start3A_90 = tpu.memref_slice %arg3[%dma_start3A_88, %dma_start3A_89] : memref<1000000x32xf32, #tpu.memory_space<hbm>> -> memref<1000000x32xf32, #tpu.memory_space<hbm>>
    tpu.enqueue_indirect_dma source(%dma_start3A_90 : memref<1000000x32xf32, #tpu.memory_space<hbm>>) target(%dma_start3A_84 : memref<128x32xf32, #tpu.memory_space<vmem>>) offsets(%dma_start3A_87 : memref<128xi32, #tpu.memory_space<vmem>>) semaphore(%arg8 : memref<!tpu.dma_semaphore, #tpu.memory_space<semaphore_mem>>)
    %dma_start3A_91 = arith.constant 7 : i32
    %dma_start3A_92 = arith.constant 7 : i32
    %dma_start3A_93 = arith.constant 0 : i32
    %dma_start3A_94 = arith.constant 0 : i32
    %dma_start3A_95 = tpu.memref_slice %arg6[%dma_start3A_92, %dma_start3A_93, %dma_start3A_94] : memref<8x128x32xf32, #tpu.memory_space<vmem>> -> memref<1x128x32xf32, #tpu.memory_space<vmem>>
    %dma_start3A_96 = tpu.memref_squeeze %dma_start3A_95 : memref<1x128x32xf32, #tpu.memory_space<vmem>> -> memref<128x32xf32, #tpu.memory_space<vmem>>
    %dma_start3A_97 = arith.constant 0 : i32
    %dma_start3A_98 = tpu.memref_slice %arg5[%dma_start3A_91, %dma_start3A_97] : memref<104x128xi32, #tpu.memory_space<vmem>> -> memref<1x128xi32, #tpu.memory_space<vmem>>
    %dma_start3A_99 = tpu.memref_squeeze %dma_start3A_98 : memref<1x128xi32, #tpu.memory_space<vmem>> -> memref<128xi32, #tpu.memory_space<vmem>>
    %dma_start3A_100 = arith.constant 0 : i32
    %dma_start3A_101 = arith.constant 0 : i32
    %dma_start3A_102 = tpu.memref_slice %arg3[%dma_start3A_100, %dma_start3A_101] : memref<1000000x32xf32, #tpu.memory_space<hbm>> -> memref<1000000x32xf32, #tpu.memory_space<hbm>>
    tpu.enqueue_indirect_dma source(%dma_start3A_102 : memref<1000000x32xf32, #tpu.memory_space<hbm>>) target(%dma_start3A_96 : memref<128x32xf32, #tpu.memory_space<vmem>>) offsets(%dma_start3A_99 : memref<128xi32, #tpu.memory_space<vmem>>) semaphore(%arg8 : memref<!tpu.dma_semaphore, #tpu.memory_space<semaphore_mem>>)
    %scan3A_103 = arith.constant 0 : i32
    %scan3A_104 = arith.constant 0 : i32
    %scan3A_105 = arith.constant 6 : i32
    %scan3A_106 = arith.addi %scan3A_104, %scan3A_105 : i32
    %scan3A_107 = arith.constant 1 : i32
    scf.for %scan3A_118 = %scan3A_104 to %scan3A_106 step %scan3A_107  : i32 {
      %mul3A_119 = arith.constant 2 : i32
      %mul3A_120 = arith.muli %mul3A_119, %scan3A_118 : i32
      %add3A_121 = arith.constant 1 : i32
      %add3A_122 = arith.addi %mul3A_120, %add3A_121 : i32
      %mul3A_123 = arith.constant 8 : i32
      %mul3A_124 = arith.muli %add3A_122, %mul3A_123 : i32
      %add3A_125 = arith.constant 0 : i32
      %add3A_126 = arith.addi %mul3A_124, %add3A_125 : i32
      %dma_start3A_127 = arith.constant 0 : i32
      %dma_start3A_128 = arith.constant 0 : i32
      %dma_start3A_129 = arith.constant 0 : i32
      %dma_start3A_130 = tpu.memref_slice %arg7[%dma_start3A_127, %dma_start3A_128, %dma_start3A_129] : memref<8x128x32xf32, #tpu.memory_space<vmem>> -> memref<1x128x32xf32, #tpu.memory_space<vmem>>
      %dma_start3A_131 = tpu.memref_squeeze %dma_start3A_130 : memref<1x128x32xf32, #tpu.memory_space<vmem>> -> memref<128x32xf32, #tpu.memory_space<vmem>>
      %dma_start3A_132 = arith.constant 0 : i32
      %dma_start3A_133 = tpu.memref_slice %arg5[%add3A_126, %dma_start3A_132] : memref<104x128xi32, #tpu.memory_space<vmem>> -> memref<1x128xi32, #tpu.memory_space<vmem>>
      %dma_start3A_134 = tpu.memref_squeeze %dma_start3A_133 : memref<1x128xi32, #tpu.memory_space<vmem>> -> memref<128xi32, #tpu.memory_space<vmem>>
      %dma_start3A_135 = arith.constant 0 : i32
      %dma_start3A_136 = arith.constant 0 : i32
      %dma_start3A_137 = tpu.memref_slice %arg3[%dma_start3A_135, %dma_start3A_136] : memref<1000000x32xf32, #tpu.memory_space<hbm>> -> memref<1000000x32xf32, #tpu.memory_space<hbm>>
      tpu.enqueue_indirect_dma source(%dma_start3A_137 : memref<1000000x32xf32, #tpu.memory_space<hbm>>) target(%dma_start3A_131 : memref<128x32xf32, #tpu.memory_space<vmem>>) offsets(%dma_start3A_134 : memref<128xi32, #tpu.memory_space<vmem>>) semaphore(%arg9 : memref<!tpu.dma_semaphore, #tpu.memory_space<semaphore_mem>>)
      %mul3A_138 = arith.constant 8 : i32
      %mul3A_139 = arith.muli %add3A_122, %mul3A_138 : i32
      %add3A_140 = arith.constant 1 : i32
      %add3A_141 = arith.addi %mul3A_139, %add3A_140 : i32
      %dma_start3A_142 = arith.constant 1 : i32
      %dma_start3A_143 = arith.constant 0 : i32
      %dma_start3A_144 = arith.constant 0 : i32
      %dma_start3A_145 = tpu.memref_slice %arg7[%dma_start3A_142, %dma_start3A_143, %dma_start3A_144] : memref<8x128x32xf32, #tpu.memory_space<vmem>> -> memref<1x128x32xf32, #tpu.memory_space<vmem>>
      %dma_start3A_146 = tpu.memref_squeeze %dma_start3A_145 : memref<1x128x32xf32, #tpu.memory_space<vmem>> -> memref<128x32xf32, #tpu.memory_space<vmem>>
      %dma_start3A_147 = arith.constant 0 : i32
      %dma_start3A_148 = tpu.memref_slice %arg5[%add3A_141, %dma_start3A_147] : memref<104x128xi32, #tpu.memory_space<vmem>> -> memref<1x128xi32, #tpu.memory_space<vmem>>
      %dma_start3A_149 = tpu.memref_squeeze %dma_start3A_148 : memref<1x128xi32, #tpu.memory_space<vmem>> -> memref<128xi32, #tpu.memory_space<vmem>>
      %dma_start3A_150 = arith.constant 0 : i32
      %dma_start3A_151 = arith.constant 0 : i32
      %dma_start3A_152 = tpu.memref_slice %arg3[%dma_start3A_150, %dma_start3A_151] : memref<1000000x32xf32, #tpu.memory_space<hbm>> -> memref<1000000x32xf32, #tpu.memory_space<hbm>>
      tpu.enqueue_indirect_dma source(%dma_start3A_152 : memref<1000000x32xf32, #tpu.memory_space<hbm>>) target(%dma_start3A_146 : memref<128x32xf32, #tpu.memory_space<vmem>>) offsets(%dma_start3A_149 : memref<128xi32, #tpu.memory_space<vmem>>) semaphore(%arg9 : memref<!tpu.dma_semaphore, #tpu.memory_space<semaphore_mem>>)
      %mul3A_153 = arith.constant 8 : i32
      %mul3A_154 = arith.muli %add3A_122, %mul3A_153 : i32
      %add3A_155 = arith.constant 2 : i32
      %add3A_156 = arith.addi %mul3A_154, %add3A_155 : i32
      %dma_start3A_157 = arith.constant 2 : i32
      %dma_start3A_158 = arith.constant 0 : i32
      %dma_start3A_159 = arith.constant 0 : i32
      %dma_start3A_160 = tpu.memref_slice %arg7[%dma_start3A_157, %dma_start3A_158, %dma_start3A_159] : memref<8x128x32xf32, #tpu.memory_space<vmem>> -> memref<1x128x32xf32, #tpu.memory_space<vmem>>
      %dma_start3A_161 = tpu.memref_squeeze %dma_start3A_160 : memref<1x128x32xf32, #tpu.memory_space<vmem>> -> memref<128x32xf32, #tpu.memory_space<vmem>>
      %dma_start3A_162 = arith.constant 0 : i32
      %dma_start3A_163 = tpu.memref_slice %arg5[%add3A_156, %dma_start3A_162] : memref<104x128xi32, #tpu.memory_space<vmem>> -> memref<1x128xi32, #tpu.memory_space<vmem>>
      %dma_start3A_164 = tpu.memref_squeeze %dma_start3A_163 : memref<1x128xi32, #tpu.memory_space<vmem>> -> memref<128xi32, #tpu.memory_space<vmem>>
      %dma_start3A_165 = arith.constant 0 : i32
      %dma_start3A_166 = arith.constant 0 : i32
      %dma_start3A_167 = tpu.memref_slice %arg3[%dma_start3A_165, %dma_start3A_166] : memref<1000000x32xf32, #tpu.memory_space<hbm>> -> memref<1000000x32xf32, #tpu.memory_space<hbm>>
      tpu.enqueue_indirect_dma source(%dma_start3A_167 : memref<1000000x32xf32, #tpu.memory_space<hbm>>) target(%dma_start3A_161 : memref<128x32xf32, #tpu.memory_space<vmem>>) offsets(%dma_start3A_164 : memref<128xi32, #tpu.memory_space<vmem>>) semaphore(%arg9 : memref<!tpu.dma_semaphore, #tpu.memory_space<semaphore_mem>>)
      %mul3A_168 = arith.constant 8 : i32
      %mul3A_169 = arith.muli %add3A_122, %mul3A_168 : i32
      %add3A_170 = arith.constant 3 : i32
      %add3A_171 = arith.addi %mul3A_169, %add3A_170 : i32
      %dma_start3A_172 = arith.constant 3 : i32
      %dma_start3A_173 = arith.constant 0 : i32
      %dma_start3A_174 = arith.constant 0 : i32
      %dma_start3A_175 = tpu.memref_slice %arg7[%dma_start3A_172, %dma_start3A_173, %dma_start3A_174] : memref<8x128x32xf32, #tpu.memory_space<vmem>> -> memref<1x128x32xf32, #tpu.memory_space<vmem>>
      %dma_start3A_176 = tpu.memref_squeeze %dma_start3A_175 : memref<1x128x32xf32, #tpu.memory_space<vmem>> -> memref<128x32xf32, #tpu.memory_space<vmem>>
      %dma_start3A_177 = arith.constant 0 : i32
      %dma_start3A_178 = tpu.memref_slice %arg5[%add3A_171, %dma_start3A_177] : memref<104x128xi32, #tpu.memory_space<vmem>> -> memref<1x128xi32, #tpu.memory_space<vmem>>
      %dma_start3A_179 = tpu.memref_squeeze %dma_start3A_178 : memref<1x128xi32, #tpu.memory_space<vmem>> -> memref<128xi32, #tpu.memory_space<vmem>>
      %dma_start3A_180 = arith.constant 0 : i32
      %dma_start3A_181 = arith.constant 0 : i32
      %dma_start3A_182 = tpu.memref_slice %arg3[%dma_start3A_180, %dma_start3A_181] : memref<1000000x32xf32, #tpu.memory_space<hbm>> -> memref<1000000x32xf32, #tpu.memory_space<hbm>>
      tpu.enqueue_indirect_dma source(%dma_start3A_182 : memref<1000000x32xf32, #tpu.memory_space<hbm>>) target(%dma_start3A_176 : memref<128x32xf32, #tpu.memory_space<vmem>>) offsets(%dma_start3A_179 : memref<128xi32, #tpu.memory_space<vmem>>) semaphore(%arg9 : memref<!tpu.dma_semaphore, #tpu.memory_space<semaphore_mem>>)
      %mul3A_183 = arith.constant 8 : i32
      %mul3A_184 = arith.muli %add3A_122, %mul3A_183 : i32
      %add3A_185 = arith.constant 4 : i32
      %add3A_186 = arith.addi %mul3A_184, %add3A_185 : i32
      %dma_start3A_187 = arith.constant 4 : i32
      %dma_start3A_188 = arith.constant 0 : i32
      %dma_start3A_189 = arith.constant 0 : i32
      %dma_start3A_190 = tpu.memref_slice %arg7[%dma_start3A_187, %dma_start3A_188, %dma_start3A_189] : memref<8x128x32xf32, #tpu.memory_space<vmem>> -> memref<1x128x32xf32, #tpu.memory_space<vmem>>
      %dma_start3A_191 = tpu.memref_squeeze %dma_start3A_190 : memref<1x128x32xf32, #tpu.memory_space<vmem>> -> memref<128x32xf32, #tpu.memory_space<vmem>>
      %dma_start3A_192 = arith.constant 0 : i32
      %dma_start3A_193 = tpu.memref_slice %arg5[%add3A_186, %dma_start3A_192] : memref<104x128xi32, #tpu.memory_space<vmem>> -> memref<1x128xi32, #tpu.memory_space<vmem>>
      %dma_start3A_194 = tpu.memref_squeeze %dma_start3A_193 : memref<1x128xi32, #tpu.memory_space<vmem>> -> memref<128xi32, #tpu.memory_space<vmem>>
      %dma_start3A_195 = arith.constant 0 : i32
      %dma_start3A_196 = arith.constant 0 : i32
      %dma_start3A_197 = tpu.memref_slice %arg3[%dma_start3A_195, %dma_start3A_196] : memref<1000000x32xf32, #tpu.memory_space<hbm>> -> memref<1000000x32xf32, #tpu.memory_space<hbm>>
      tpu.enqueue_indirect_dma source(%dma_start3A_197 : memref<1000000x32xf32, #tpu.memory_space<hbm>>) target(%dma_start3A_191 : memref<128x32xf32, #tpu.memory_space<vmem>>) offsets(%dma_start3A_194 : memref<128xi32, #tpu.memory_space<vmem>>) semaphore(%arg9 : memref<!tpu.dma_semaphore, #tpu.memory_space<semaphore_mem>>)
      %mul3A_198 = arith.constant 8 : i32
      %mul3A_199 = arith.muli %add3A_122, %mul3A_198 : i32
      %add3A_200 = arith.constant 5 : i32
      %add3A_201 = arith.addi %mul3A_199, %add3A_200 : i32
      %dma_start3A_202 = arith.constant 5 : i32
      %dma_start3A_203 = arith.constant 0 : i32
      %dma_start3A_204 = arith.constant 0 : i32
      %dma_start3A_205 = tpu.memref_slice %arg7[%dma_start3A_202, %dma_start3A_203, %dma_start3A_204] : memref<8x128x32xf32, #tpu.memory_space<vmem>> -> memref<1x128x32xf32, #tpu.memory_space<vmem>>
      %dma_start3A_206 = tpu.memref_squeeze %dma_start3A_205 : memref<1x128x32xf32, #tpu.memory_space<vmem>> -> memref<128x32xf32, #tpu.memory_space<vmem>>
      %dma_start3A_207 = arith.constant 0 : i32
      %dma_start3A_208 = tpu.memref_slice %arg5[%add3A_201, %dma_start3A_207] : memref<104x128xi32, #tpu.memory_space<vmem>> -> memref<1x128xi32, #tpu.memory_space<vmem>>
      %dma_start3A_209 = tpu.memref_squeeze %dma_start3A_208 : memref<1x128xi32, #tpu.memory_space<vmem>> -> memref<128xi32, #tpu.memory_space<vmem>>
      %dma_start3A_210 = arith.constant 0 : i32
      %dma_start3A_211 = arith.constant 0 : i32
      %dma_start3A_212 = tpu.memref_slice %arg3[%dma_start3A_210, %dma_start3A_211] : memref<1000000x32xf32, #tpu.memory_space<hbm>> -> memref<1000000x32xf32, #tpu.memory_space<hbm>>
      tpu.enqueue_indirect_dma source(%dma_start3A_212 : memref<1000000x32xf32, #tpu.memory_space<hbm>>) target(%dma_start3A_206 : memref<128x32xf32, #tpu.memory_space<vmem>>) offsets(%dma_start3A_209 : memref<128xi32, #tpu.memory_space<vmem>>) semaphore(%arg9 : memref<!tpu.dma_semaphore, #tpu.memory_space<semaphore_mem>>)
      %mul3A_213 = arith.constant 8 : i32
      %mul3A_214 = arith.muli %add3A_122, %mul3A_213 : i32
      %add3A_215 = arith.constant 6 : i32
      %add3A_216 = arith.addi %mul3A_214, %add3A_215 : i32
      %dma_start3A_217 = arith.constant 6 : i32
      %dma_start3A_218 = arith.constant 0 : i32
      %dma_start3A_219 = arith.constant 0 : i32
      %dma_start3A_220 = tpu.memref_slice %arg7[%dma_start3A_217, %dma_start3A_218, %dma_start3A_219] : memref<8x128x32xf32, #tpu.memory_space<vmem>> -> memref<1x128x32xf32, #tpu.memory_space<vmem>>
      %dma_start3A_221 = tpu.memref_squeeze %dma_start3A_220 : memref<1x128x32xf32, #tpu.memory_space<vmem>> -> memref<128x32xf32, #tpu.memory_space<vmem>>
      %dma_start3A_222 = arith.constant 0 : i32
      %dma_start3A_223 = tpu.memref_slice %arg5[%add3A_216, %dma_start3A_222] : memref<104x128xi32, #tpu.memory_space<vmem>> -> memref<1x128xi32, #tpu.memory_space<vmem>>
      %dma_start3A_224 = tpu.memref_squeeze %dma_start3A_223 : memref<1x128xi32, #tpu.memory_space<vmem>> -> memref<128xi32, #tpu.memory_space<vmem>>
      %dma_start3A_225 = arith.constant 0 : i32
      %dma_start3A_226 = arith.constant 0 : i32
      %dma_start3A_227 = tpu.memref_slice %arg3[%dma_start3A_225, %dma_start3A_226] : memref<1000000x32xf32, #tpu.memory_space<hbm>> -> memref<1000000x32xf32, #tpu.memory_space<hbm>>
      tpu.enqueue_indirect_dma source(%dma_start3A_227 : memref<1000000x32xf32, #tpu.memory_space<hbm>>) target(%dma_start3A_221 : memref<128x32xf32, #tpu.memory_space<vmem>>) offsets(%dma_start3A_224 : memref<128xi32, #tpu.memory_space<vmem>>) semaphore(%arg9 : memref<!tpu.dma_semaphore, #tpu.memory_space<semaphore_mem>>)
      %mul3A_228 = arith.constant 8 : i32
      %mul3A_229 = arith.muli %add3A_122, %mul3A_228 : i32
      %add3A_230 = arith.constant 7 : i32
      %add3A_231 = arith.addi %mul3A_229, %add3A_230 : i32
      %dma_start3A_232 = arith.constant 7 : i32
      %dma_start3A_233 = arith.constant 0 : i32
      %dma_start3A_234 = arith.constant 0 : i32
      %dma_start3A_235 = tpu.memref_slice %arg7[%dma_start3A_232, %dma_start3A_233, %dma_start3A_234] : memref<8x128x32xf32, #tpu.memory_space<vmem>> -> memref<1x128x32xf32, #tpu.memory_space<vmem>>
      %dma_start3A_236 = tpu.memref_squeeze %dma_start3A_235 : memref<1x128x32xf32, #tpu.memory_space<vmem>> -> memref<128x32xf32, #tpu.memory_space<vmem>>
      %dma_start3A_237 = arith.constant 0 : i32
      %dma_start3A_238 = tpu.memref_slice %arg5[%add3A_231, %dma_start3A_237] : memref<104x128xi32, #tpu.memory_space<vmem>> -> memref<1x128xi32, #tpu.memory_space<vmem>>
      %dma_start3A_239 = tpu.memref_squeeze %dma_start3A_238 : memref<1x128xi32, #tpu.memory_space<vmem>> -> memref<128xi32, #tpu.memory_space<vmem>>
      %dma_start3A_240 = arith.constant 0 : i32
      %dma_start3A_241 = arith.constant 0 : i32
      %dma_start3A_242 = tpu.memref_slice %arg3[%dma_start3A_240, %dma_start3A_241] : memref<1000000x32xf32, #tpu.memory_space<hbm>> -> memref<1000000x32xf32, #tpu.memory_space<hbm>>
      tpu.enqueue_indirect_dma source(%dma_start3A_242 : memref<1000000x32xf32, #tpu.memory_space<hbm>>) target(%dma_start3A_236 : memref<128x32xf32, #tpu.memory_space<vmem>>) offsets(%dma_start3A_239 : memref<128xi32, #tpu.memory_space<vmem>>) semaphore(%arg9 : memref<!tpu.dma_semaphore, #tpu.memory_space<semaphore_mem>>)
      %dma_wait3A_243 = arith.constant 0 : i32
      %dma_wait3A_244 = arith.constant 0 : i32
      %dma_wait3A_245 = arith.constant 0 : i32
      %dma_wait3A_246 = tpu.memref_slice %arg4[%dma_wait3A_243, %dma_wait3A_244, %dma_wait3A_245] : memref<3328x128x32xf32, #tpu.memory_space<hbm>> -> memref<8x128x32xf32, #tpu.memory_space<hbm>>
      %dma_wait3A_247 = arith.constant 0 : i32
      %dma_wait3A_248 = arith.constant 0 : i32
      %dma_wait3A_249 = arith.constant 0 : i32
      %dma_wait3A_250 = tpu.memref_slice %arg4[%dma_wait3A_247, %dma_wait3A_248, %dma_wait3A_249] : memref<3328x128x32xf32, #tpu.memory_space<hbm>> -> memref<8x128x32xf32, #tpu.memory_space<hbm>>
      tpu.wait_dma2 semaphore(%arg8 : memref<!tpu.dma_semaphore, #tpu.memory_space<semaphore_mem>>) src(%dma_wait3A_250 : memref<8x128x32xf32, #tpu.memory_space<hbm>>) dst(%arg6 : memref<8x128x32xf32, #tpu.memory_space<vmem>>)
      %mul3A_251 = arith.constant 8 : i32
      %mul3A_252 = arith.muli %mul3A_120, %mul3A_251 : i32
      %add3A_253 = arith.addi %mul3A_2, %mul3A_252 : i32
      "tpu.region"() ({
        %run_scoped3A = tpu.sem_alloc : memref<!tpu.dma_semaphore, #tpu.memory_space<semaphore_mem>>
        %dma_start3A_389 = arith.constant 0 : i32
        %dma_start3A_390 = arith.constant 0 : i32
        %dma_start3A_391 = tpu.memref_slice %arg4[%add3A_253, %dma_start3A_389, %dma_start3A_390] : memref<3328x128x32xf32, #tpu.memory_space<hbm>> -> memref<8x128x32xf32, #tpu.memory_space<hbm>>
        %dma_start3A_392 = arith.constant 0 : i32
        %dma_start3A_393 = arith.constant 0 : i32
        %dma_start3A_394 = tpu.memref_slice %arg4[%add3A_253, %dma_start3A_392, %dma_start3A_393] : memref<3328x128x32xf32, #tpu.memory_space<hbm>> -> memref<8x128x32xf32, #tpu.memory_space<hbm>>
        tpu.enqueue_dma source(%arg6 : memref<8x128x32xf32, #tpu.memory_space<vmem>>) target(%dma_start3A_394 : memref<8x128x32xf32, #tpu.memory_space<hbm>>) target_semaphore(%run_scoped3A : memref<!tpu.dma_semaphore, #tpu.memory_space<semaphore_mem>>)
        %dma_wait3A_395 = arith.constant 0 : i32
        %dma_wait3A_396 = arith.constant 0 : i32
        %dma_wait3A_397 = tpu.memref_slice %arg4[%add3A_253, %dma_wait3A_395, %dma_wait3A_396] : memref<3328x128x32xf32, #tpu.memory_space<hbm>> -> memref<8x128x32xf32, #tpu.memory_space<hbm>>
        %dma_wait3A_398 = arith.constant 0 : i32
        %dma_wait3A_399 = arith.constant 0 : i32
        %dma_wait3A_400 = tpu.memref_slice %arg4[%add3A_253, %dma_wait3A_398, %dma_wait3A_399] : memref<3328x128x32xf32, #tpu.memory_space<hbm>> -> memref<8x128x32xf32, #tpu.memory_space<hbm>>
        tpu.wait_dma2 semaphore(%run_scoped3A : memref<!tpu.dma_semaphore, #tpu.memory_space<semaphore_mem>>) src(%arg6 : memref<8x128x32xf32, #tpu.memory_space<vmem>>) dst(%dma_wait3A_400 : memref<8x128x32xf32, #tpu.memory_space<hbm>>)
        tpu.yield
      }) : () -> ()
      %add3A_254 = arith.constant 2 : i32
      %add3A_255 = arith.addi %mul3A_120, %add3A_254 : i32
      %mul3A_256 = arith.constant 8 : i32
      %mul3A_257 = arith.muli %add3A_255, %mul3A_256 : i32
      %add3A_258 = arith.constant 0 : i32
      %add3A_259 = arith.addi %mul3A_257, %add3A_258 : i32
      %dma_start3A_260 = arith.constant 0 : i32
      %dma_start3A_261 = arith.constant 0 : i32
      %dma_start3A_262 = arith.constant 0 : i32
      %dma_start3A_263 = tpu.memref_slice %arg6[%dma_start3A_260, %dma_start3A_261, %dma_start3A_262] : memref<8x128x32xf32, #tpu.memory_space<vmem>> -> memref<1x128x32xf32, #tpu.memory_space<vmem>>
      %dma_start3A_264 = tpu.memref_squeeze %dma_start3A_263 : memref<1x128x32xf32, #tpu.memory_space<vmem>> -> memref<128x32xf32, #tpu.memory_space<vmem>>
      %dma_start3A_265 = arith.constant 0 : i32
      %dma_start3A_266 = tpu.memref_slice %arg5[%add3A_259, %dma_start3A_265] : memref<104x128xi32, #tpu.memory_space<vmem>> -> memref<1x128xi32, #tpu.memory_space<vmem>>
      %dma_start3A_267 = tpu.memref_squeeze %dma_start3A_266 : memref<1x128xi32, #tpu.memory_space<vmem>> -> memref<128xi32, #tpu.memory_space<vmem>>
      %dma_start3A_268 = arith.constant 0 : i32
      %dma_start3A_269 = arith.constant 0 : i32
      %dma_start3A_270 = tpu.memref_slice %arg3[%dma_start3A_268, %dma_start3A_269] : memref<1000000x32xf32, #tpu.memory_space<hbm>> -> memref<1000000x32xf32, #tpu.memory_space<hbm>>
      tpu.enqueue_indirect_dma source(%dma_start3A_270 : memref<1000000x32xf32, #tpu.memory_space<hbm>>) target(%dma_start3A_264 : memref<128x32xf32, #tpu.memory_space<vmem>>) offsets(%dma_start3A_267 : memref<128xi32, #tpu.memory_space<vmem>>) semaphore(%arg8 : memref<!tpu.dma_semaphore, #tpu.memory_space<semaphore_mem>>)
      %mul3A_271 = arith.constant 8 : i32
      %mul3A_272 = arith.muli %add3A_255, %mul3A_271 : i32
      %add3A_273 = arith.constant 1 : i32
      %add3A_274 = arith.addi %mul3A_272, %add3A_273 : i32
      %dma_start3A_275 = arith.constant 1 : i32
      %dma_start3A_276 = arith.constant 0 : i32
      %dma_start3A_277 = arith.constant 0 : i32
      %dma_start3A_278 = tpu.memref_slice %arg6[%dma_start3A_275, %dma_start3A_276, %dma_start3A_277] : memref<8x128x32xf32, #tpu.memory_space<vmem>> -> memref<1x128x32xf32, #tpu.memory_space<vmem>>
      %dma_start3A_279 = tpu.memref_squeeze %dma_start3A_278 : memref<1x128x32xf32, #tpu.memory_space<vmem>> -> memref<128x32xf32, #tpu.memory_space<vmem>>
      %dma_start3A_280 = arith.constant 0 : i32
      %dma_start3A_281 = tpu.memref_slice %arg5[%add3A_274, %dma_start3A_280] : memref<104x128xi32, #tpu.memory_space<vmem>> -> memref<1x128xi32, #tpu.memory_space<vmem>>
      %dma_start3A_282 = tpu.memref_squeeze %dma_start3A_281 : memref<1x128xi32, #tpu.memory_space<vmem>> -> memref<128xi32, #tpu.memory_space<vmem>>
      %dma_start3A_283 = arith.constant 0 : i32
      %dma_start3A_284 = arith.constant 0 : i32
      %dma_start3A_285 = tpu.memref_slice %arg3[%dma_start3A_283, %dma_start3A_284] : memref<1000000x32xf32, #tpu.memory_space<hbm>> -> memref<1000000x32xf32, #tpu.memory_space<hbm>>
      tpu.enqueue_indirect_dma source(%dma_start3A_285 : memref<1000000x32xf32, #tpu.memory_space<hbm>>) target(%dma_start3A_279 : memref<128x32xf32, #tpu.memory_space<vmem>>) offsets(%dma_start3A_282 : memref<128xi32, #tpu.memory_space<vmem>>) semaphore(%arg8 : memref<!tpu.dma_semaphore, #tpu.memory_space<semaphore_mem>>)
      %mul3A_286 = arith.constant 8 : i32
      %mul3A_287 = arith.muli %add3A_255, %mul3A_286 : i32
      %add3A_288 = arith.constant 2 : i32
      %add3A_289 = arith.addi %mul3A_287, %add3A_288 : i32
      %dma_start3A_290 = arith.constant 2 : i32
      %dma_start3A_291 = arith.constant 0 : i32
      %dma_start3A_292 = arith.constant 0 : i32
      %dma_start3A_293 = tpu.memref_slice %arg6[%dma_start3A_290, %dma_start3A_291, %dma_start3A_292] : memref<8x128x32xf32, #tpu.memory_space<vmem>> -> memref<1x128x32xf32, #tpu.memory_space<vmem>>
      %dma_start3A_294 = tpu.memref_squeeze %dma_start3A_293 : memref<1x128x32xf32, #tpu.memory_space<vmem>> -> memref<128x32xf32, #tpu.memory_space<vmem>>
      %dma_start3A_295 = arith.constant 0 : i32
      %dma_start3A_296 = tpu.memref_slice %arg5[%add3A_289, %dma_start3A_295] : memref<104x128xi32, #tpu.memory_space<vmem>> -> memref<1x128xi32, #tpu.memory_space<vmem>>
      %dma_start3A_297 = tpu.memref_squeeze %dma_start3A_296 : memref<1x128xi32, #tpu.memory_space<vmem>> -> memref<128xi32, #tpu.memory_space<vmem>>
      %dma_start3A_298 = arith.constant 0 : i32
      %dma_start3A_299 = arith.constant 0 : i32
      %dma_start3A_300 = tpu.memref_slice %arg3[%dma_start3A_298, %dma_start3A_299] : memref<1000000x32xf32, #tpu.memory_space<hbm>> -> memref<1000000x32xf32, #tpu.memory_space<hbm>>
      tpu.enqueue_indirect_dma source(%dma_start3A_300 : memref<1000000x32xf32, #tpu.memory_space<hbm>>) target(%dma_start3A_294 : memref<128x32xf32, #tpu.memory_space<vmem>>) offsets(%dma_start3A_297 : memref<128xi32, #tpu.memory_space<vmem>>) semaphore(%arg8 : memref<!tpu.dma_semaphore, #tpu.memory_space<semaphore_mem>>)
      %mul3A_301 = arith.constant 8 : i32
      %mul3A_302 = arith.muli %add3A_255, %mul3A_301 : i32
      %add3A_303 = arith.constant 3 : i32
      %add3A_304 = arith.addi %mul3A_302, %add3A_303 : i32
      %dma_start3A_305 = arith.constant 3 : i32
      %dma_start3A_306 = arith.constant 0 : i32
      %dma_start3A_307 = arith.constant 0 : i32
      %dma_start3A_308 = tpu.memref_slice %arg6[%dma_start3A_305, %dma_start3A_306, %dma_start3A_307] : memref<8x128x32xf32, #tpu.memory_space<vmem>> -> memref<1x128x32xf32, #tpu.memory_space<vmem>>
      %dma_start3A_309 = tpu.memref_squeeze %dma_start3A_308 : memref<1x128x32xf32, #tpu.memory_space<vmem>> -> memref<128x32xf32, #tpu.memory_space<vmem>>
      %dma_start3A_310 = arith.constant 0 : i32
      %dma_start3A_311 = tpu.memref_slice %arg5[%add3A_304, %dma_start3A_310] : memref<104x128xi32, #tpu.memory_space<vmem>> -> memref<1x128xi32, #tpu.memory_space<vmem>>
      %dma_start3A_312 = tpu.memref_squeeze %dma_start3A_311 : memref<1x128xi32, #tpu.memory_space<vmem>> -> memref<128xi32, #tpu.memory_space<vmem>>
      %dma_start3A_313 = arith.constant 0 : i32
      %dma_start3A_314 = arith.constant 0 : i32
      %dma_start3A_315 = tpu.memref_slice %arg3[%dma_start3A_313, %dma_start3A_314] : memref<1000000x32xf32, #tpu.memory_space<hbm>> -> memref<1000000x32xf32, #tpu.memory_space<hbm>>
      tpu.enqueue_indirect_dma source(%dma_start3A_315 : memref<1000000x32xf32, #tpu.memory_space<hbm>>) target(%dma_start3A_309 : memref<128x32xf32, #tpu.memory_space<vmem>>) offsets(%dma_start3A_312 : memref<128xi32, #tpu.memory_space<vmem>>) semaphore(%arg8 : memref<!tpu.dma_semaphore, #tpu.memory_space<semaphore_mem>>)
      %mul3A_316 = arith.constant 8 : i32
      %mul3A_317 = arith.muli %add3A_255, %mul3A_316 : i32
      %add3A_318 = arith.constant 4 : i32
      %add3A_319 = arith.addi %mul3A_317, %add3A_318 : i32
      %dma_start3A_320 = arith.constant 4 : i32
      %dma_start3A_321 = arith.constant 0 : i32
      %dma_start3A_322 = arith.constant 0 : i32
      %dma_start3A_323 = tpu.memref_slice %arg6[%dma_start3A_320, %dma_start3A_321, %dma_start3A_322] : memref<8x128x32xf32, #tpu.memory_space<vmem>> -> memref<1x128x32xf32, #tpu.memory_space<vmem>>
      %dma_start3A_324 = tpu.memref_squeeze %dma_start3A_323 : memref<1x128x32xf32, #tpu.memory_space<vmem>> -> memref<128x32xf32, #tpu.memory_space<vmem>>
      %dma_start3A_325 = arith.constant 0 : i32
      %dma_start3A_326 = tpu.memref_slice %arg5[%add3A_319, %dma_start3A_325] : memref<104x128xi32, #tpu.memory_space<vmem>> -> memref<1x128xi32, #tpu.memory_space<vmem>>
      %dma_start3A_327 = tpu.memref_squeeze %dma_start3A_326 : memref<1x128xi32, #tpu.memory_space<vmem>> -> memref<128xi32, #tpu.memory_space<vmem>>
      %dma_start3A_328 = arith.constant 0 : i32
      %dma_start3A_329 = arith.constant 0 : i32
      %dma_start3A_330 = tpu.memref_slice %arg3[%dma_start3A_328, %dma_start3A_329] : memref<1000000x32xf32, #tpu.memory_space<hbm>> -> memref<1000000x32xf32, #tpu.memory_space<hbm>>
      tpu.enqueue_indirect_dma source(%dma_start3A_330 : memref<1000000x32xf32, #tpu.memory_space<hbm>>) target(%dma_start3A_324 : memref<128x32xf32, #tpu.memory_space<vmem>>) offsets(%dma_start3A_327 : memref<128xi32, #tpu.memory_space<vmem>>) semaphore(%arg8 : memref<!tpu.dma_semaphore, #tpu.memory_space<semaphore_mem>>)
      %mul3A_331 = arith.constant 8 : i32
      %mul3A_332 = arith.muli %add3A_255, %mul3A_331 : i32
      %add3A_333 = arith.constant 5 : i32
      %add3A_334 = arith.addi %mul3A_332, %add3A_333 : i32
      %dma_start3A_335 = arith.constant 5 : i32
      %dma_start3A_336 = arith.constant 0 : i32
      %dma_start3A_337 = arith.constant 0 : i32
      %dma_start3A_338 = tpu.memref_slice %arg6[%dma_start3A_335, %dma_start3A_336, %dma_start3A_337] : memref<8x128x32xf32, #tpu.memory_space<vmem>> -> memref<1x128x32xf32, #tpu.memory_space<vmem>>
      %dma_start3A_339 = tpu.memref_squeeze %dma_start3A_338 : memref<1x128x32xf32, #tpu.memory_space<vmem>> -> memref<128x32xf32, #tpu.memory_space<vmem>>
      %dma_start3A_340 = arith.constant 0 : i32
      %dma_start3A_341 = tpu.memref_slice %arg5[%add3A_334, %dma_start3A_340] : memref<104x128xi32, #tpu.memory_space<vmem>> -> memref<1x128xi32, #tpu.memory_space<vmem>>
      %dma_start3A_342 = tpu.memref_squeeze %dma_start3A_341 : memref<1x128xi32, #tpu.memory_space<vmem>> -> memref<128xi32, #tpu.memory_space<vmem>>
      %dma_start3A_343 = arith.constant 0 : i32
      %dma_start3A_344 = arith.constant 0 : i32
      %dma_start3A_345 = tpu.memref_slice %arg3[%dma_start3A_343, %dma_start3A_344] : memref<1000000x32xf32, #tpu.memory_space<hbm>> -> memref<1000000x32xf32, #tpu.memory_space<hbm>>
      tpu.enqueue_indirect_dma source(%dma_start3A_345 : memref<1000000x32xf32, #tpu.memory_space<hbm>>) target(%dma_start3A_339 : memref<128x32xf32, #tpu.memory_space<vmem>>) offsets(%dma_start3A_342 : memref<128xi32, #tpu.memory_space<vmem>>) semaphore(%arg8 : memref<!tpu.dma_semaphore, #tpu.memory_space<semaphore_mem>>)
      %mul3A_346 = arith.constant 8 : i32
      %mul3A_347 = arith.muli %add3A_255, %mul3A_346 : i32
      %add3A_348 = arith.constant 6 : i32
      %add3A_349 = arith.addi %mul3A_347, %add3A_348 : i32
      %dma_start3A_350 = arith.constant 6 : i32
      %dma_start3A_351 = arith.constant 0 : i32
      %dma_start3A_352 = arith.constant 0 : i32
      %dma_start3A_353 = tpu.memref_slice %arg6[%dma_start3A_350, %dma_start3A_351, %dma_start3A_352] : memref<8x128x32xf32, #tpu.memory_space<vmem>> -> memref<1x128x32xf32, #tpu.memory_space<vmem>>
      %dma_start3A_354 = tpu.memref_squeeze %dma_start3A_353 : memref<1x128x32xf32, #tpu.memory_space<vmem>> -> memref<128x32xf32, #tpu.memory_space<vmem>>
      %dma_start3A_355 = arith.constant 0 : i32
      %dma_start3A_356 = tpu.memref_slice %arg5[%add3A_349, %dma_start3A_355] : memref<104x128xi32, #tpu.memory_space<vmem>> -> memref<1x128xi32, #tpu.memory_space<vmem>>
      %dma_start3A_357 = tpu.memref_squeeze %dma_start3A_356 : memref<1x128xi32, #tpu.memory_space<vmem>> -> memref<128xi32, #tpu.memory_space<vmem>>
      %dma_start3A_358 = arith.constant 0 : i32
      %dma_start3A_359 = arith.constant 0 : i32
      %dma_start3A_360 = tpu.memref_slice %arg3[%dma_start3A_358, %dma_start3A_359] : memref<1000000x32xf32, #tpu.memory_space<hbm>> -> memref<1000000x32xf32, #tpu.memory_space<hbm>>
      tpu.enqueue_indirect_dma source(%dma_start3A_360 : memref<1000000x32xf32, #tpu.memory_space<hbm>>) target(%dma_start3A_354 : memref<128x32xf32, #tpu.memory_space<vmem>>) offsets(%dma_start3A_357 : memref<128xi32, #tpu.memory_space<vmem>>) semaphore(%arg8 : memref<!tpu.dma_semaphore, #tpu.memory_space<semaphore_mem>>)
      %mul3A_361 = arith.constant 8 : i32
      %mul3A_362 = arith.muli %add3A_255, %mul3A_361 : i32
      %add3A_363 = arith.constant 7 : i32
      %add3A_364 = arith.addi %mul3A_362, %add3A_363 : i32
      %dma_start3A_365 = arith.constant 7 : i32
      %dma_start3A_366 = arith.constant 0 : i32
      %dma_start3A_367 = arith.constant 0 : i32
      %dma_start3A_368 = tpu.memref_slice %arg6[%dma_start3A_365, %dma_start3A_366, %dma_start3A_367] : memref<8x128x32xf32, #tpu.memory_space<vmem>> -> memref<1x128x32xf32, #tpu.memory_space<vmem>>
      %dma_start3A_369 = tpu.memref_squeeze %dma_start3A_368 : memref<1x128x32xf32, #tpu.memory_space<vmem>> -> memref<128x32xf32, #tpu.memory_space<vmem>>
      %dma_start3A_370 = arith.constant 0 : i32
      %dma_start3A_371 = tpu.memref_slice %arg5[%add3A_364, %dma_start3A_370] : memref<104x128xi32, #tpu.memory_space<vmem>> -> memref<1x128xi32, #tpu.memory_space<vmem>>
      %dma_start3A_372 = tpu.memref_squeeze %dma_start3A_371 : memref<1x128xi32, #tpu.memory_space<vmem>> -> memref<128xi32, #tpu.memory_space<vmem>>
      %dma_start3A_373 = arith.constant 0 : i32
      %dma_start3A_374 = arith.constant 0 : i32
      %dma_start3A_375 = tpu.memref_slice %arg3[%dma_start3A_373, %dma_start3A_374] : memref<1000000x32xf32, #tpu.memory_space<hbm>> -> memref<1000000x32xf32, #tpu.memory_space<hbm>>
      tpu.enqueue_indirect_dma source(%dma_start3A_375 : memref<1000000x32xf32, #tpu.memory_space<hbm>>) target(%dma_start3A_369 : memref<128x32xf32, #tpu.memory_space<vmem>>) offsets(%dma_start3A_372 : memref<128xi32, #tpu.memory_space<vmem>>) semaphore(%arg8 : memref<!tpu.dma_semaphore, #tpu.memory_space<semaphore_mem>>)
      %dma_wait3A_376 = arith.constant 0 : i32
      %dma_wait3A_377 = arith.constant 0 : i32
      %dma_wait3A_378 = arith.constant 0 : i32
      %dma_wait3A_379 = tpu.memref_slice %arg4[%dma_wait3A_376, %dma_wait3A_377, %dma_wait3A_378] : memref<3328x128x32xf32, #tpu.memory_space<hbm>> -> memref<8x128x32xf32, #tpu.memory_space<hbm>>
      %dma_wait3A_380 = arith.constant 0 : i32
      %dma_wait3A_381 = arith.constant 0 : i32
      %dma_wait3A_382 = arith.constant 0 : i32
      %dma_wait3A_383 = tpu.memref_slice %arg4[%dma_wait3A_380, %dma_wait3A_381, %dma_wait3A_382] : memref<3328x128x32xf32, #tpu.memory_space<hbm>> -> memref<8x128x32xf32, #tpu.memory_space<hbm>>
      tpu.wait_dma2 semaphore(%arg9 : memref<!tpu.dma_semaphore, #tpu.memory_space<semaphore_mem>>) src(%dma_wait3A_383 : memref<8x128x32xf32, #tpu.memory_space<hbm>>) dst(%arg7 : memref<8x128x32xf32, #tpu.memory_space<vmem>>)
      %add3A_384 = arith.constant 1 : i32
      %add3A_385 = arith.addi %mul3A_120, %add3A_384 : i32
      %mul3A_386 = arith.constant 8 : i32
      %mul3A_387 = arith.muli %add3A_385, %mul3A_386 : i32
      %add3A_388 = arith.addi %mul3A_2, %mul3A_387 : i32
      "tpu.region"() ({
        %run_scoped3A = tpu.sem_alloc : memref<!tpu.dma_semaphore, #tpu.memory_space<semaphore_mem>>
        %dma_start3A_389 = arith.constant 0 : i32
        %dma_start3A_390 = arith.constant 0 : i32
        %dma_start3A_391 = tpu.memref_slice %arg4[%add3A_388, %dma_start3A_389, %dma_start3A_390] : memref<3328x128x32xf32, #tpu.memory_space<hbm>> -> memref<8x128x32xf32, #tpu.memory_space<hbm>>
        %dma_start3A_392 = arith.constant 0 : i32
        %dma_start3A_393 = arith.constant 0 : i32
        %dma_start3A_394 = tpu.memref_slice %arg4[%add3A_388, %dma_start3A_392, %dma_start3A_393] : memref<3328x128x32xf32, #tpu.memory_space<hbm>> -> memref<8x128x32xf32, #tpu.memory_space<hbm>>
        tpu.enqueue_dma source(%arg7 : memref<8x128x32xf32, #tpu.memory_space<vmem>>) target(%dma_start3A_394 : memref<8x128x32xf32, #tpu.memory_space<hbm>>) target_semaphore(%run_scoped3A : memref<!tpu.dma_semaphore, #tpu.memory_space<semaphore_mem>>)
        %dma_wait3A_395 = arith.constant 0 : i32
        %dma_wait3A_396 = arith.constant 0 : i32
        %dma_wait3A_397 = tpu.memref_slice %arg4[%add3A_388, %dma_wait3A_395, %dma_wait3A_396] : memref<3328x128x32xf32, #tpu.memory_space<hbm>> -> memref<8x128x32xf32, #tpu.memory_space<hbm>>
        %dma_wait3A_398 = arith.constant 0 : i32
        %dma_wait3A_399 = arith.constant 0 : i32
        %dma_wait3A_400 = tpu.memref_slice %arg4[%add3A_388, %dma_wait3A_398, %dma_wait3A_399] : memref<3328x128x32xf32, #tpu.memory_space<hbm>> -> memref<8x128x32xf32, #tpu.memory_space<hbm>>
        tpu.wait_dma2 semaphore(%run_scoped3A : memref<!tpu.dma_semaphore, #tpu.memory_space<semaphore_mem>>) src(%arg7 : memref<8x128x32xf32, #tpu.memory_space<vmem>>) dst(%dma_wait3A_400 : memref<8x128x32xf32, #tpu.memory_space<hbm>>)
        tpu.yield
      }) : () -> ()
    }
    %scan3A_108 = arith.constant 6 : i32
    %dma_wait3A = arith.constant 0 : i32
    %dma_wait3A_109 = arith.constant 0 : i32
    %dma_wait3A_110 = arith.constant 0 : i32
    %dma_wait3A_111 = tpu.memref_slice %arg4[%dma_wait3A, %dma_wait3A_109, %dma_wait3A_110] : memref<3328x128x32xf32, #tpu.memory_space<hbm>> -> memref<8x128x32xf32, #tpu.memory_space<hbm>>
    %dma_wait3A_112 = arith.constant 0 : i32
    %dma_wait3A_113 = arith.constant 0 : i32
    %dma_wait3A_114 = arith.constant 0 : i32
    %dma_wait3A_115 = tpu.memref_slice %arg4[%dma_wait3A_112, %dma_wait3A_113, %dma_wait3A_114] : memref<3328x128x32xf32, #tpu.memory_space<hbm>> -> memref<8x128x32xf32, #tpu.memory_space<hbm>>
    tpu.wait_dma2 semaphore(%arg8 : memref<!tpu.dma_semaphore, #tpu.memory_space<semaphore_mem>>) src(%dma_wait3A_115 : memref<8x128x32xf32, #tpu.memory_space<hbm>>) dst(%arg6 : memref<8x128x32xf32, #tpu.memory_space<vmem>>)
    %add3A_116 = arith.constant 96 : i32
    %add3A_117 = arith.addi %mul3A_2, %add3A_116 : i32
    "tpu.region"() ({
      %run_scoped3A = tpu.sem_alloc : memref<!tpu.dma_semaphore, #tpu.memory_space<semaphore_mem>>
      %dma_start3A_118 = arith.constant 0 : i32
      %dma_start3A_119 = arith.constant 0 : i32
      %dma_start3A_120 = tpu.memref_slice %arg4[%add3A_117, %dma_start3A_118, %dma_start3A_119] : memref<3328x128x32xf32, #tpu.memory_space<hbm>> -> memref<8x128x32xf32, #tpu.memory_space<hbm>>
      %dma_start3A_121 = arith.constant 0 : i32
      %dma_start3A_122 = arith.constant 0 : i32
      %dma_start3A_123 = tpu.memref_slice %arg4[%add3A_117, %dma_start3A_121, %dma_start3A_122] : memref<3328x128x32xf32, #tpu.memory_space<hbm>> -> memref<8x128x32xf32, #tpu.memory_space<hbm>>
      tpu.enqueue_dma source(%arg6 : memref<8x128x32xf32, #tpu.memory_space<vmem>>) target(%dma_start3A_123 : memref<8x128x32xf32, #tpu.memory_space<hbm>>) target_semaphore(%run_scoped3A : memref<!tpu.dma_semaphore, #tpu.memory_space<semaphore_mem>>)
      %dma_wait3A_124 = arith.constant 0 : i32
      %dma_wait3A_125 = arith.constant 0 : i32
      %dma_wait3A_126 = tpu.memref_slice %arg4[%add3A_117, %dma_wait3A_124, %dma_wait3A_125] : memref<3328x128x32xf32, #tpu.memory_space<hbm>> -> memref<8x128x32xf32, #tpu.memory_space<hbm>>
      %dma_wait3A_127 = arith.constant 0 : i32
      %dma_wait3A_128 = arith.constant 0 : i32
      %dma_wait3A_129 = tpu.memref_slice %arg4[%add3A_117, %dma_wait3A_127, %dma_wait3A_128] : memref<3328x128x32xf32, #tpu.memory_space<hbm>> -> memref<8x128x32xf32, #tpu.memory_space<hbm>>
      tpu.wait_dma2 semaphore(%run_scoped3A : memref<!tpu.dma_semaphore, #tpu.memory_space<semaphore_mem>>) src(%arg6 : memref<8x128x32xf32, #tpu.memory_space<vmem>>) dst(%dma_wait3A_129 : memref<8x128x32xf32, #tpu.memory_space<hbm>>)
      tpu.yield
    }) : () -> ()
    return
  }
}

</mosaic_0001>

<sc_bundles>
// kernel: kernel.3.cloned.1.call-start
scs
__scs_entry_jumppad:
0x0: {  	(pc) =	sbr.rel $0x88, $3  }
0x1: {  	(tag) =	ssettag $0x0;
	lr =	simm.s32 $0x1  }
0x2: {  	[smem:$0x3F9F] =	sst lr;
	_ =	strace $0xD0000000  }
0x3: {  	_ = 	snop  }
0x4: {  	_ = 	snop  }
0x5: {  	_ = 	snop  }
0x6: {  	_ = 	snop  }
0x7: {  	_ = 	snop  }
__scs_overlays_trampoline_lowered:
0x8: {  	[smem:$0x3FAE] =	sst s0  }
0x9: {  	[smem:$0x3FAF] =	sst s1  }
0xa: {  	[smem:$0x3FB0] =	sst s2  }
0xb: {  	[smem:$0x3FB1] =	sst s3  }
0xc: {  	[smem:$0x3FB2] =	sst s4  }
0xd: {  	[smem:$0x3FB3] =	sst s5  }
0xe: {  	[smem:$0x3FB4] =	sst s6  }
0xf: {  	[smem:$0x3FB5] =	sst s7  }
0x10: {  	[smem:$0x3FB6] =	sst s8  }
0x11: {  	[smem:$0x3FB7] =	sst s9;
	s0 =	simm.s32 @!p0 $0x0  }
0x12: {  	s1 =	sld [smem:$0x3F9D];
	s0 =	simm.s32 @p0 $0x1  }
0x13: {  	[smem:$0x3FB8] =	sst s0;
	s0 =	simm.s32 @!p1 $0x0  }
0x14: {  	s2 =	sld [smem:$0x3F9C];
	s0 =	simm.s32 @p1 $0x1  }
0x15: {  	[smem:$0x3FB9] =	sst s0;
	s0 =	simm.s32 @!p2 $0x0  }
0x16: {  	s3 =	sld [smem:$0x3FDB];
	s0 =	simm.s32 @p2 $0x1  }
0x17: {  	s4 =	simm.s32 $0x1BF5;
	[smem:$0x3FBB] =	sst s0  }
0x18: {  	s0 =	sld [smem:$0x3F9E];
	_ =	swait.ge [sflag:s4], $0x0  }
0x19: {  	s7 =	sld [smem:$0x3F9F]  }
0x1a: {  	s8 =	sadd.s32 $0xFFFFE003, lr  }
0x1b: {  	s9 =	sadd.s32 $0xFFFFFEF7, lr;
	s5 =	simm.s32 $0xFFFFFFFF;
	p2 =	slt.u32 s8, $0xFFFFF086  }
0x1c: {  	p1 =	slt.u32 s9, $0xF7A;
	s5 =	simm.s32 @!p2 $0x0  }
0x1d: {  	s5 =	simm.s32 @p1 $0x1;
	p0 =	seq.s32 s7, s2  }
0x1e: {  	s7 =	smul.u32 @!p0 $0xF7A, s2;
	p2 =	seq.s32 @!p0 s5, $0x0  }
0x1f: {  	s9 =	smul.u32 $0xF7A, s1;
	s8 =	simm.s32 @!p0 $0x1BF5;
	p2 =	por !p2, p0  }
0x20: {  	[sflag:s8] =	ssyncset.s32 @!p0 $0xFFFFF086;
	s6 =	sadd.s32 @!p0 s3, s7;
	s7 =	simm.s32 @!p0 $0x108  }
0x21: {  	s3 =	sadd.s32 s3, s9;
	s6 =	sadd.s32 @!p0 $0x88, s6;
	s7 =	simm.s32 @p2 $0x1082  }
0x22: {  	[simem:s7], [sflag:s8] =	dma.local @!p0 [hbm:s6], $0xF7A  }
0x23: {  	s9 =	sor.u32 $0xD0000000, s2;
	s6 =	simm.s32 $0x108;
	_ =	swait.ge @!p0 [sflag:s8], $0x0  }
0x24: {  	s3 =	sadd.s32 $0x88, s3;
	s6 =	simm.s32 @!p1 $0x1082;
	[sflag:s4] =	ssyncset.s32 $0xFFFFF086  }
0x25: {  	[simem:s6], [sflag:s4] =	dma.local [hbm:s3], $0xF7A  }
0x26: {  	[smem:$0x3F9F] =	sst s1;
	(tag) =	ssettag s2;
	_ =	strace s9  }
0x27: {  	s1 =	sld [smem:$0x3FAF]  }
0x28: {  	s2 =	sld [smem:$0x3FB0]  }
0x29: {  	s4 =	sld [smem:$0x3FB2]  }
0x2a: {  	p0 =	seq.s32 s5, $0x0;
	s5 =	sld [smem:$0x3FB3]  }
0x2b: {  	s6 =	sld [smem:$0x3FB4]  }
0x2c: {  	s7 =	sld [smem:$0x3FB5]  }
0x2d: {  	s3 =	simm.s32 $0x108;
	s8 =	sld [smem:$0x3FB6]  }
0x2e: {  	s3 =	simm.s32 @!p0 $0x1082;
	s9 =	sld [smem:$0x3FB7]  }
0x2f: {  	lr =	sadd.s32 s0, s3;
	s0 =	sld [smem:$0x3FAE]  }
0x30: {  	s3 =	sld [smem:$0x3FB1]  }
0x31: {  	[smem:$0x3FBA] =	sst s10  }
0x32: {  	s10 =	sld [smem:$0x3FB8];
	_ =	sdelay $0x3  }
0x33: {  	p0 =	seq.s32 s10, $0x1;
	s10 =	sld [smem:$0x3FBA];
	_ =	sdelay $0x3  }
0x34: {  	[smem:$0x3FBA] =	sst s10  }
0x35: {  	s10 =	sld [smem:$0x3FB9];
	_ =	sdelay $0x3  }
0x36: {  	p1 =	seq.s32 s10, $0x1;
	s10 =	sld [smem:$0x3FBA];
	_ =	sdelay $0x3  }
0x37: {  	[smem:$0x3FBA] =	sst s10  }
0x38: {  	s10 =	sld [smem:$0x3FBB]  }
0x39: {  	_ = 	snop;
	(pc) =	sbr.ind lr, $3  }
0x3a: {  	_ = 	snop  }
0x3b: {  	_ = 	snop  }
0x3c: {  	p2 =	seq.s32 s10, $0x1;
	s10 =	sld [smem:$0x3FBA]  }
0x3d: {  	_ =	shalt  }
0x3e: {  	_ =	shalt  }
0x3f: {  	_ =	shalt  }
0x40: {  	_ =	shalt  }
0x41: {  	_ =	shalt  }
0x42: {  	_ =	shalt  }
0x43: {  	_ =	shalt  }
0x44: {  	_ =	shalt  }
0x45: {  	_ =	shalt  }
0x46: {  	_ =	shalt  }
0x47: {  	_ =	shalt  }
0x48: {  	_ =	shalt  }
0x49: {  	_ =	shalt  }
0x4a: {  	_ =	shalt  }
0x4b: {  	_ =	shalt  }
0x4c: {  	_ =	shalt  }
0x4d: {  	_ =	shalt  }
0x4e: {  	_ =	shalt  }
0x4f: {  	_ =	shalt  }
0x50: {  	_ =	shalt  }
0x51: {  	_ =	shalt  }
0x52: {  	_ =	shalt  }
0x53: {  	_ =	shalt  }
0x54: {  	_ =	shalt  }
0x55: {  	_ =	shalt  }
0x56: {  	_ =	shalt  }
0x57: {  	_ =	shalt  }
0x58: {  	_ =	shalt  }
0x59: {  	_ =	shalt  }
0x5a: {  	_ =	shalt  }
0x5b: {  	_ =	shalt  }
0x5c: {  	_ =	shalt  }
0x5d: {  	_ =	shalt  }
0x5e: {  	_ =	shalt  }
0x5f: {  	_ =	shalt  }
0x60: {  	_ =	shalt  }
0x61: {  	_ =	shalt  }
0x62: {  	_ =	shalt  }
0x63: {  	_ =	shalt  }
0x64: {  	_ =	shalt  }
0x65: {  	_ =	shalt  }
0x66: {  	_ =	shalt  }
0x67: {  	_ =	shalt  }
0x68: {  	_ =	shalt  }
0x69: {  	_ =	shalt  }
0x6a: {  	_ =	shalt  }
0x6b: {  	_ =	shalt  }
0x6c: {  	_ =	shalt  }
0x6d: {  	_ =	shalt  }
0x6e: {  	_ =	shalt  }
0x6f: {  	_ =	shalt  }
0x70: {  	_ =	shalt  }
0x71: {  	_ =	shalt  }
0x72: {  	_ =	shalt  }
0x73: {  	_ =	shalt  }
0x74: {  	_ =	shalt  }
0x75: {  	_ =	shalt  }
0x76: {  	_ =	shalt  }
0x77: {  	_ =	shalt  }
0x78: {  	_ =	shalt  }
0x79: {  	_ =	shalt  }
0x7a: {  	_ =	shalt  }
0x7b: {  	_ =	shalt  }
0x7c: {  	_ =	shalt  }
0x7d: {  	_ =	shalt  }
0x7e: {  	_ =	shalt  }
0x7f: {  	_ =	shalt  }
0x80: {  	_ =	shalt  }
0x81: {  	_ =	shalt  }
0x82: {  	_ =	shalt  }
0x83: {  	_ =	shalt  }
0x84: {  	_ =	shalt  }
0x85: {  	_ =	shalt  }
0x86: {  	_ =	shalt  }
0x87: {  	_ =	shalt  }
.Lfunc_end0:
.L_simem_size_0:
called_computation.1_lowered:
.L_overlay_start_0:
0x88: {  	s2 =	sld [smem:$0x3FD9]  }
0x89: {  	s3 =	sld [smem:$0x3FFE];
	_ =	sdelay $0x1  }
0x8a: {  	s1 =	srdreg.scid  }
0x8b: {  	s0 =	sand.u32 $0x1, s1  }
0x8c: {  	s17 =	sshll.u32 s0, $0xA;
	s2 =	sadd.s32 s3, s2  }
0x8d: {  	s2 =	sadd.s32 s2, s17  }
0x8e: {  	[smem:$0x3FC6] =	sst s2  }
0x8f: {  	_ = 	snop  }
0x90: {  	s2 =	sld [smem:$0x3FD0];
	(tm) =	ssettm $0x1  }
0x91: {  	s18 =	sld [smem:$0x3FFB];
	_ =	sdelay $0x3  }
0x92: {  	_ =	strace s18  }
0x93: {  	s3 =	sld [smem:$0x3FFC];
	_ =	sdelay $0x3  }
0x94: {  	_ =	strace s3  }
0x95: {  	s3 =	sld [smem:$0x3FFD];
	_ =	sdelay $0x3  }
0x96: {  	_ =	strace s3  }
0x97: {  	_ =	strace $0x8FFFFFFF  }
0x98: {  	s19 =	sld [smem:$0x3FDB];
	_ =	sdelay $0x1  }
0x99: {  	s4 =	simm.s32 $_scs_section_size  }
0x9a: {  	s5 =	simm.s32 $_size__tile_overlayer_lowered;
	s6 =	simm.s32 $_tile_overlayer_lowered  }
0x9b: {  	s22 =	simm.s32 $0x1BFF;
	s21 =	sshll.u32 s6, $0x1;
	s3 =	sadd.s32 s4, s19  }
0x9c: {  	s7 =	simm.s32 $0x0;
	s20 =	sshll.u32 s5, $0x1;
	s5 =	sadd.s32 s21, s3  }
0x9d: {  	[timem:s7], [sflag:s22] =	dma.local [hbm:s5], s20  }
0x9e: {  	_ =	swait.ge [sflag:s22], s20  }
0x9f: {  	s4 =	ssub.s32 $0x0, s20;
	[sflag:s22] =	ssyncset.done $0x0  }
0xa0: {  	[sflag:s22] =	ssyncadd.s32 s4;
	_ =	sdelay $0x1  }
0xa1: {  	s23 =	simm.s32 $0x1B8B  }
0xa2: {  	_ =	swait.ge [sflag:s23], $0x1  }
0xa3: {  	[sflag:s23] =	ssyncset.done $0x0  }
0xa4: {  	s25 =	simm.s32 $0x1B8E;
	s24 =	sld [smem:$0x3FFE];
	[sflag:s23] =	ssyncadd.s32 $0xFFFFFFFF  }
0xa5: {  	s26 =	simm.s32 $execute0_lowered;
	[smem:$0x3FD2] =	sst s25  }
0xa6: {  	s5 =	sshll.u32 s26, $0x1;
	_ =	strace $0x80000046;
	[dreg:$0x1] =	wrdreg $0xFFFFFFFF  }
0xa7: {  	s28 =	simm.s32 $_size_execute0_lowered;
	s3 =	sadd.s32 s3, s5;
	[dreg:$0x0] =	wrdreg $0x0  }
0xa8: {  	s5 =	sshll.u32 s28, $0x1;
	[dreg:$0x2] =	wrdreg s3  }
0xa9: {  	[dreg:$0x3] =	wrdreg s5  }
0xaa: {  	[dreg:$0x4] =	wrdreg $0xC0  }
0xab: {  	_ =	task [dreg:s7], $0x5FFFF  }
0xac: {  	[dreg:$0x1] =	wrdreg $0xFFFFFFFF  }
0xad: {  	[dreg:$0x0] =	wrdreg $0x60  }
0xae: {  	[dreg:$0x2] =	wrdreg s24  }
0xaf: {  	[dreg:$0x3] =	wrdreg s2  }
0xb0: {  	[dreg:$0x4] =	wrdreg $0x9  }
0xb1: {  	_ =	task.clear_ibuf [dreg:s7], $0x5FFFF;
	_ =	strace $0x90000046  }
0xb2: {  	s29 =	simm.s32 $0x9;
	_ =	strace $0x80000048  }
0xb3: {  	_ =	swait.ge [sflag:s29], $0x1  }
0xb4: {  	[sflag:s29] =	ssyncadd.s32 $0xFFFFFFFF  }
0xb5: {  	_ =	strace $0x90000048  }
0xb6: {  	_ =	sfence  }
0xb7: {  	s30 =	sld [smem:$0x0];
	_ =	sdelay $0x2  }
0xb8: {  	s31 =	sshll.u32 s1, $0xD;
	s1 =	sshrl.u32 s1, $0x2  }
0xb9: {  	s3 =	sand.u32 $0x4000, s31;
	s1 =	sadd.s32 s1, s30  }
0xba: {  	s0 =	sor.u32 s3, s0;
	s1 =	sshll.u32 s1, $0x11  }
0xbb: {  	s0 =	sor.u32 s1, s0  }
0xbc: {  	s0 =	sadd.s32 $0x8F2B, s0  }
0xbd: {  	[sflag:s0] =	ssyncadd.remote.s32 $0x1  }
0xbe: {  	_ =	sfence.sel $0xFFFF  }
0xbf: {  	[dreg:$0x0] =	wrdreg $0xFFFFFFFF;
	(pc) =	sbr.abs _section_cstart, $3  }
0xc0: {  	[dreg:$0x1] =	wrdreg $0xFFFFFFFF  }
0xc1: {  	_ =	task.clear_ibuf [dreg:s7], $0x2FFFF;
	_ =	strace $0x9FFFFFFF  }
0xc2: {  	(tm) =	ssettm $0x7FFFFFFF  }
0xc3: {  	_ =	shalt  }
tec
execute0_lowered:
.L_overlay_start_1:
0x0: {  	(tag) =	ssettag $0x1  }
0x1: {  	s0 =	srdreg.scid;
	s3 =	rddreg [dreg:$0x0]  }
0x2: {  	s9 =	stileid.u32;
	s5 =	rddreg [dreg:$0x1];
	s2 =	simm.s32 $0x0  }
0x3: {  	s12 =	simm.s32 $0x5400;
	s13 =	simm.s32 $0x180;
	s14 =	simm.s32 $0x6400  }
0x4: {  	s15 =	simm.s32 $0x200;
	s24 =	simm.s32 $0xC400;
	s16 =	simm.s32 $0x7400  }
0x5: {  	s25 =	simm.s32 $0xD400;
	s17 =	simm.s32 $0x280;
	s26 =	simm.s32 $0xE400  }
0x6: {  	s18 =	simm.s32 $0x8400;
	s28 =	simm.s32 $0xF400;
	s19 =	simm.s32 $0x300  }
0x7: {  	s29 =	simm.s32 $0x10400;
	s20 =	simm.s32 $0x9400;
	[smem:$0x7FF] =	sst s2  }
0x8: {  	s30 =	simm.s32 $0x11400;
	_ =	strace $0x80000047;
	[dreg:$0x5] =	wrdreg s24  }
0x9: {  	s21 =	simm.s32 $0x380;
	s31 =	simm.s32 $0x12400;
	[dreg:$0x6] =	wrdreg s25  }
0xa: {  	s22 =	simm.s32 $0xA400;
	s23 =	simm.s32 $0xB400;
	[dreg:$0x7] =	wrdreg s26  }
0xb: {  	s0 =	sand.u32 $0x1, s0;
	s6 =	smul.u32 $0xD0000, s9;
	[dreg:$0x8] =	wrdreg s28  }
0xc: {  	s1 =	sshll.u32 s9, $0x1;
	s9 =	smul.u32 $0xD0, s9;
	[dreg:$0x9] =	wrdreg s29  }
0xd: {  	s1 =	sor.u32 s0, s1;
	s7 =	smul.u32 $0x68000, s0;
	[dreg:$0xa] =	wrdreg s30  }
0xe: {  	s8 =	ssub.s32 $0x2, s0;
	s0 =	smul.u32 $0x68, s0;
	[dreg:$0xb] =	wrdreg s31  }
0xf: {  	s24 =	simm.s32 $0x1;
	s25 =	simm.s32 $0x2;
	s4 =	smul.u32 $0x680, s1  }
0x10: {  	s26 =	simm.s32 $0x0;
	s10 =	sshrl.u32 s8, $0x1;
	s1 =	smul.u32 $0x68000, s1  }
0x11: {  	s8 =	ssub.s32 s8, s10;
	s6 =	sadd.s32 s7, s6;
	s0 =	sadd.s32 s0, s9  }
0x12: {  	s7 =	simm.s32 $0x3;
	s9 =	simm.s32 $0x3400;
	s10 =	simm.s32 $0x4400  }
0x13: {  	s4 =	sadd.s32 s4, s3;
	s3 =	sadd.s32 $0xF42E00, s3;
	s1 =	sshrl.u32 s1, $0x3  }
0x14: {  	s6 =	sshrl.u32 s6, $0x3;
	s0 =	sshll.u32 s0, $0x9;
	s4 =	sadd.s32 $0xA00, s4  }
0x15: {  	s1 =	sadd.s32 s5, s1;
	s6 =	sadd.s32 s6, s5;
	s0 =	sadd.s32 s5, s0  }
0x16: {  	s5 =	sadd.s32 $0xC000, s1;
	[dreg:$0x3] =	wrdreg s6;
	s0 =	sadd.s32 $0x1000, s0  }
0x17: {  	s6 =	smax.u32 s8, $0x1;
	s8 =	simm.s32 $0x80;
	[dreg:$0x4] =	wrdreg s0  }
.LBB2_1:
0x18: {  	[tilespmem:s2], [sflag:$0x3] =	stream.linear.gather [hbm4b:s4+s2], $0x3400, $0x38;
	[tilespmem:$0x13400] =	vst v63  }
0x19: {  	_ =	swait.ge [sflag:s7], $0x3400  }
0x1a: {  	[sflag:s7] =	ssyncset.done $0x0  }
0x1b: {  	s28 =	simm.s32 $0x0;
	[sflag:s7] =	ssyncadd.s32 $0xFFFFCC00  }
0x1c: {  	v0 =	vld [tilespmem:s28+$0x70]  }
0x1d: {  	v1 =	vld [tilespmem:s28+$0x60]  }
0x1e: {  	v4 =	vld [tilespmem:s28+$0x20];
	_ =	sdelay $0x1  }
0x1f: {  	v7 =	vld [tilespmem:s28+$0x40]  }
0x20: {  	v2 =	vld [tilespmem:s28+$0x0];
	v5 =	vadd.s32 $0xFFFFFFFF, v0  }
0x21: {  	v3 =	vld [tilespmem:s28+$0x10];
	vm0 =	vgt.s32 v5, $0x0  }
0x22: {  	v6 =	vadd.s32 $0xFFFFFFFF, v1;
	v4 =	vadd.s32 $0xFFFFFFFF, v4;
	v0 =	vld [tilespmem:s28+$0x30];
	v5 =	vnsel vm0, $0x0, v5  }
0x23: {  	v1 =	vld [tilespmem:s28+$0x50];
	vm15 =	vgt.s32 v6, $0x0;
	vm1 =	vgt.s32 v4, $0x0;
	v8 =	vmin.u32 v5, $0xF423F  }
0x24: {  	s29 =	simm.s32 $0x200;
	v6 =	vnsel vm15, $0x0, v6;
	v5 =	vnsel vm1, $0x0, v4;
	v4 =	vadd.s32 $0xFFFFFFFF, v7;
	[tilespmem:s28+$0x70] =	vst v8  }
.LBB2_2:
0x25: {  	s0 =	sshra.s32 s29, $0x2;
	p0 =	sne.s32 s29, $0xCE00;
	s29 =	sadd.s32 $0x200, s29;
	v2 =	vadd.s32 $0xFFFFFFFF, v2;
	vm0 =	vgt.s32 v4, $0x0;
	v6 =	vmin.u32 v6, $0xF423F  }
0x26: {  	v5 =	vmin.u32 v5, $0xF423F;
	v7 =	vld [tilespmem:s0+$0x70];
	v3 =	vadd.s32 $0xFFFFFFFF, v3;
	v4 =	vnsel vm0, $0x0, v4;
	[tilespmem:s28+$0x60] =	vst v6  }
0x27: {  	vm0 =	vgt.s32 v2, $0x0;
	v6 =	vld [tilespmem:s0+$0x60];
	vm1 =	vgt.s32 v3, $0x0;
	[tilespmem:s28+$0x20] =	vst v5;
	v4 =	vmin.u32 v4, $0xF423F  }
0x28: {  	v2 =	vnsel vm0, $0x0, v2;
	v0 =	vadd.s32 $0xFFFFFFFF, v0;
	v5 =	vld [tilespmem:s0+$0x20];
	[tilespmem:s28+$0x40] =	vst v4;
	v1 =	vadd.s32 $0xFFFFFFFF, v1  }
0x29: {  	v2 =	vmin.u32 v2, $0xF423F;
	v3 =	vnsel vm1, $0x0, v3;
	vm0 =	vgt.s32 v0, $0x0;
	v4 =	vld [tilespmem:s0+$0x40]  }
0x2a: {  	v3 =	vmin.u32 v3, $0xF423F;
	v0 =	vnsel vm0, $0x0, v0;
	vm0 =	vgt.s32 v1, $0x0;
	[tilespmem:s28+$0x0] =	vst v2  }
.Ltmp0:
0x2b: {  	v0 =	vmin.u32 v0, $0xF423F;
	v1 =	vnsel vm0, $0x0, v1;
	v2 =	vld [tilespmem:s0+$0x0];
	v7 =	vadd.s32 $0xFFFFFFFF, v7;
	[tilespmem:s28+$0x10] =	vst v3;
	(pc) =	sbr.rel @p0 .LBB2_2-.Ltmp0, $4  }
0x2c: {  	v1 =	vmin.u32 v1, $0xF423F;
	v3 =	vld [tilespmem:s0+$0x10];
	v6 =	vadd.s32 $0xFFFFFFFF, v6;
	vm0 =	vgt.s32 v7, $0x0;
	[tilespmem:s28+$0x30] =	vst v0  }
0x2d: {  	v5 =	vadd.s32 $0xFFFFFFFF, v5;
	v0 =	vld [tilespmem:s0+$0x30];
	vm1 =	vgt.s32 v6, $0x0;
	v7 =	vnsel vm0, $0x0, v7;
	[tilespmem:s28+$0x50] =	vst v1;
	s28 =	smov.u32 s0  }
0x2e: {  	vm0 =	vgt.s32 v5, $0x0;
	v1 =	vld [tilespmem:s28+$0x50];
	v6 =	vnsel vm1, $0x0, v6;
	v7 =	vmin.u32 v7, $0xF423F  }
0x2f: {  	v4 =	vadd.s32 $0xFFFFFFFF, v4;
	v5 =	vnsel vm0, $0x0, v5;
	[tilespmem:s28+$0x70] =	vst v7  }
0x30: {  	v2 =	vadd.s32 $0xFFFFFFFF, v2;
	vm0 =	vgt.s32 v4, $0x0;
	v6 =	vmin.u32 v6, $0xF423F  }
0x31: {  	v5 =	vmin.u32 v5, $0xF423F;
	v3 =	vadd.s32 $0xFFFFFFFF, v3;
	v4 =	vnsel vm0, $0x0, v4  }
0x32: {  	[tilespmem:s28+$0x60] =	vst v6;
	vm13 =	vgt.s32 v2, $0x0;
	vm1 =	vgt.s32 v3, $0x0;
	v4 =	vmin.u32 v4, $0xF423F  }
0x33: {  	[tilespmem:s28+$0x20] =	vst v5;
	v2 =	vnsel vm13, $0x0, v2;
	v0 =	vadd.s32 $0xFFFFFFFF, v0;
	v1 =	vadd.s32 $0xFFFFFFFF, v1  }
0x34: {  	[tilespmem:s28+$0x40] =	vst v4;
	v2 =	vmin.u32 v2, $0xF423F;
	v3 =	vnsel vm1, $0x0, v3;
	vm14 =	vgt.s32 v0, $0x0  }
0x35: {  	[tilespmem:s28+$0x0] =	vst v2;
	v62 =	vmin.u32 v3, $0xF423F;
	v0 =	vnsel vm14, $0x0, v0;
	vm15 =	vgt.s32 v1, $0x0  }
0x36: {  	[tilespmem:s28+$0x10] =	vst v62;
	v0 =	vmin.u32 v0, $0xF423F;
	v1 =	vnsel vm15, $0x0, v1  }
0x37: {  	[tilespmem:s28+$0x30] =	vst v0;
	v63 =	vmin.u32 v1, $0xF423F  }
0x38: {  	s0 =	simm.s32 $0x0;
	[tilespmem:s28+$0x50] =	vst v63  }
0x39: {  	[tilespmem:s9], [sflag:$0x1] =	stream.indirect.gather [hbm4b:s3+s8], $0x20, s0, s8, $0xb8;
	[tilespmem:$0x13400] =	vst v63  }
0x3a: {  	_ = 	snop  }
0x3b: {  	[tilespmem:s10], [sflag:$0x1] =	stream.indirect.gather [hbm4b:s3+s8], $0x20, s8, s8, $0xb8;
	[tilespmem:$0x13400] =	vst v63  }
0x3c: {  	s1 =	simm.s32 $0x100  }
0x3d: {  	[tilespmem:s12], [sflag:$0x1] =	stream.indirect.gather [hbm4b:s3+s8], $0x20, s1, s8, $0xb8;
	[tilespmem:$0x13400] =	vst v63  }
0x3e: {  	_ = 	snop  }
0x3f: {  	[tilespmem:s14], [sflag:$0x1] =	stream.indirect.gather [hbm4b:s3+s8], $0x20, s13, s8, $0xb8;
	[tilespmem:$0x13400] =	vst v63  }
0x40: {  	_ = 	snop  }
0x41: {  	[tilespmem:s16], [sflag:$0x1] =	stream.indirect.gather [hbm4b:s3+s8], $0x20, s15, s8, $0xb8;
	[tilespmem:$0x13400] =	vst v63  }
0x42: {  	_ = 	snop  }
0x43: {  	[tilespmem:s18], [sflag:$0x1] =	stream.indirect.gather [hbm4b:s3+s8], $0x20, s17, s8, $0xb8;
	[tilespmem:$0x13400] =	vst v63  }
0x44: {  	_ = 	snop  }
0x45: {  	[tilespmem:s20], [sflag:$0x1] =	stream.indirect.gather [hbm4b:s3+s8], $0x20, s19, s8, $0xb8;
	[tilespmem:$0x13400] =	vst v63  }
0x46: {  	_ = 	snop  }
0x47: {  	[tilespmem:s22], [sflag:$0x1] =	stream.indirect.gather [hbm4b:s3+s8], $0x20, s21, s8, $0xb8;
	[tilespmem:$0x13400] =	vst v63  }
0x48: {  	s1 =	simm.s32 $0x400  }
0x49: {  	[tilespmem:s23], [sflag:$0x2] =	stream.indirect.gather [hbm4b:s3+s8], $0x20, s1, s8, $0xb8;
	[tilespmem:$0x13400] =	vst v63  }
0x4a: {  	s11 =	rddreg [dreg:$0x5];
	s31 =	simm.s32 $0x480  }
0x4b: {  	[tilespmem:s11], [sflag:$0x2] =	stream.indirect.gather [hbm4b:s3+s8], $0x20, s31, s8, $0xb8;
	[tilespmem:$0x13400] =	vst v63  }
0x4c: {  	s28 =	rddreg [dreg:$0x6];
	s1 =	simm.s32 $0x500  }
0x4d: {  	[tilespmem:s28], [sflag:$0x2] =	stream.indirect.gather [hbm4b:s3+s8], $0x20, s1, s8, $0xb8;
	[tilespmem:$0x13400] =	vst v63  }
0x4e: {  	s11 =	rddreg [dreg:$0x7];
	s31 =	simm.s32 $0x580  }
0x4f: {  	[tilespmem:s11], [sflag:$0x2] =	stream.indirect.gather [hbm4b:s3+s8], $0x20, s31, s8, $0xb8;
	[tilespmem:$0x13400] =	vst v63  }
0x50: {  	s28 =	rddreg [dreg:$0x8];
	s1 =	simm.s32 $0x600  }
0x51: {  	[tilespmem:s28], [sflag:$0x2] =	stream.indirect.gather [hbm4b:s3+s8], $0x20, s1, s8, $0xb8;
	[tilespmem:$0x13400] =	vst v63  }
0x52: {  	s11 =	rddreg [dreg:$0x9];
	s31 =	simm.s32 $0x680  }
0x53: {  	[tilespmem:s11], [sflag:$0x2] =	stream.indirect.gather [hbm4b:s3+s8], $0x20, s31, s8, $0xb8;
	[tilespmem:$0x13400] =	vst v63  }
0x54: {  	s28 =	rddreg [dreg:$0xa];
	s11 =	simm.s32 $0x700  }
0x55: {  	[tilespmem:s28], [sflag:$0x2] =	stream.indirect.gather [hbm4b:s3+s8], $0x20, s11, s8, $0xb8;
	[tilespmem:$0x13400] =	vst v63  }
0x56: {  	s31 =	rddreg [dreg:$0xb];
	s11 =	simm.s32 $0x780  }
0x57: {  	[tilespmem:s31], [sflag:$0x2] =	stream.indirect.gather [hbm4b:s3+s8], $0x20, s11, s8, $0xb8;
	[tilespmem:$0x13400] =	vst v63  }
0x58: {  	_ =	swait.ge [sflag:s24], $0x8000  }
0x59: {  	s31 =	rddreg [dreg:$0x3];
	[sflag:s24] =	ssyncset.done $0x0  }
0x5a: {  	[sflag:s24] =	ssyncadd.s32 $0xFFFF8000;
	s0 =	sadd.s32 $0x0, s31  }
0x5b: {  	[hbm4b:s0+s2] =	stream.linear.scatter [tilespmem:s9], [sflag:$0x3], $0x8000, $0x38;
	[tilespmem:$0x13400] =	vst v63  }
0x5c: {  	_ =	swait.ge [sflag:s7], $0x8000  }
0x5d: {  	[sflag:s7] =	ssyncset.done $0x0  }
0x5e: {  	s1 =	simm.s32 $0x800;
	[sflag:s7] =	ssyncadd.s32 $0xFFFF8000  }
0x5f: {  	[tilespmem:s9], [sflag:$0x1] =	stream.indirect.gather [hbm4b:s3+s8], $0x20, s1, s8, $0xb8;
	[tilespmem:$0x13400] =	vst v63  }
0x60: {  	s11 =	simm.s32 $0x880  }
0x61: {  	[tilespmem:s10], [sflag:$0x1] =	stream.indirect.gather [hbm4b:s3+s8], $0x20, s11, s8, $0xb8;
	[tilespmem:$0x13400] =	vst v63  }
0x62: {  	s31 =	simm.s32 $0x900  }
0x63: {  	[tilespmem:s12], [sflag:$0x1] =	stream.indirect.gather [hbm4b:s3+s8], $0x20, s31, s8, $0xb8;
	[tilespmem:$0x13400] =	vst v63  }
0x64: {  	s1 =	simm.s32 $0x980  }
0x65: {  	[tilespmem:s14], [sflag:$0x1] =	stream.indirect.gather [hbm4b:s3+s8], $0x20, s1, s8, $0xb8;
	[tilespmem:$0x13400] =	vst v63  }
0x66: {  	s11 =	simm.s32 $0xA00  }
0x67: {  	[tilespmem:s16], [sflag:$0x1] =	stream.indirect.gather [hbm4b:s3+s8], $0x20, s11, s8, $0xb8;
	[tilespmem:$0x13400] =	vst v63  }
0x68: {  	s31 =	simm.s32 $0xA80  }
0x69: {  	[tilespmem:s18], [sflag:$0x1] =	stream.indirect.gather [hbm4b:s3+s8], $0x20, s31, s8, $0xb8;
	[tilespmem:$0x13400] =	vst v63  }
0x6a: {  	s1 =	simm.s32 $0xB00  }
0x6b: {  	[tilespmem:s20], [sflag:$0x1] =	stream.indirect.gather [hbm4b:s3+s8], $0x20, s1, s8, $0xb8;
	[tilespmem:$0x13400] =	vst v63  }
0x6c: {  	s11 =	simm.s32 $0xB80  }
0x6d: {  	[tilespmem:s22], [sflag:$0x1] =	stream.indirect.gather [hbm4b:s3+s8], $0x20, s11, s8, $0xb8;
	[tilespmem:$0x13400] =	vst v63  }
0x6e: {  	_ =	swait.ge [sflag:s25], $0x8000  }
0x6f: {  	s31 =	rddreg [dreg:$0x4];
	[sflag:s25] =	ssyncset.done $0x0  }
0x70: {  	[sflag:s25] =	ssyncadd.s32 $0xFFFF8000;
	s0 =	sadd.s32 $0x0, s31  }
0x71: {  	[hbm4b:s0+s2] =	stream.linear.scatter [tilespmem:s23], [sflag:$0x3], $0x8000, $0x38;
	[tilespmem:$0x13400] =	vst v63  }
0x72: {  	s30 =	simm.s32 $0x4000;
	s29 =	simm.s32 $0x800;
	_ =	swait.ge [sflag:s7], $0x8000  }
0x73: {  	s28 =	simm.s32 $0x2000;
	s1 =	rddreg [dreg:$0x5];
	[sflag:s7] =	ssyncset.done $0x0  }
.LBB2_4:
0x74: {  	s11 =	sadd.s32 $0x400, s29;
	[sflag:s7] =	ssyncadd.s32 $0xFFFF8000  }
0x75: {  	[tilespmem:s23], [sflag:$0x2] =	stream.indirect.gather [hbm4b:s3+s8], $0x20, s11, s8, $0xb8;
	[tilespmem:$0x13400] =	vst v63  }
0x76: {  	s31 =	smov.u32 s30;
	s0 =	sadd.s32 $0x2000, s30;
	s11 =	sadd.s32 $0x480, s29  }
0x77: {  	[tilespmem:s1], [sflag:$0x2] =	stream.indirect.gather [hbm4b:s3+s8], $0x20, s11, s8, $0xb8;
	[tilespmem:$0x13400] =	vst v63  }
0x78: {  	p0 =	sne.s32 s30, $0xA000;
	s30 =	rddreg [dreg:$0x6];
	s1 =	sadd.s32 $0x500, s29  }
0x79: {  	[tilespmem:s30], [sflag:$0x2] =	stream.indirect.gather [hbm4b:s3+s8], $0x20, s1, s8, $0xb8;
	[tilespmem:$0x13400] =	vst v63  }
0x7a: {  	s11 =	rddreg [dreg:$0x7];
	s1 =	sadd.s32 $0x580, s29  }
0x7b: {  	[tilespmem:s11], [sflag:$0x2] =	stream.indirect.gather [hbm4b:s3+s8], $0x20, s1, s8, $0xb8;
	[tilespmem:$0x13400] =	vst v63  }
0x7c: {  	s30 =	rddreg [dreg:$0x8];
	s1 =	sadd.s32 $0x600, s29  }
0x7d: {  	[tilespmem:s30], [sflag:$0x2] =	stream.indirect.gather [hbm4b:s3+s8], $0x20, s1, s8, $0xb8;
	[tilespmem:$0x13400] =	vst v63  }
0x7e: {  	s11 =	rddreg [dreg:$0x9];
	s1 =	sadd.s32 $0x680, s29  }
0x7f: {  	[tilespmem:s11], [sflag:$0x2] =	stream.indirect.gather [hbm4b:s3+s8], $0x20, s1, s8, $0xb8;
	[tilespmem:$0x13400] =	vst v63  }
0x80: {  	s30 =	rddreg [dreg:$0xa];
	s1 =	sadd.s32 $0x700, s29  }
0x81: {  	[tilespmem:s30], [sflag:$0x2] =	stream.indirect.gather [hbm4b:s3+s8], $0x20, s1, s8, $0xb8;
	[tilespmem:$0x13400] =	vst v63  }
0x82: {  	s11 =	rddreg [dreg:$0xb];
	s1 =	sadd.s32 $0x780, s29  }
0x83: {  	[tilespmem:s11], [sflag:$0x2] =	stream.indirect.gather [hbm4b:s3+s8], $0x20, s1, s8, $0xb8;
	[tilespmem:$0x13400] =	vst v63  }
0x84: {  	_ =	swait.ge [sflag:s24], $0x8000  }
0x85: {  	s11 =	rddreg [dreg:$0x3];
	[sflag:s24] =	ssyncset.done $0x0  }
0x86: {  	[sflag:s24] =	ssyncadd.s32 $0xFFFF8000;
	s1 =	sadd.s32 s28, s11  }
0x87: {  	[hbm4b:s1+s2] =	stream.linear.scatter [tilespmem:s9], [sflag:$0x3], $0x8000, $0x38;
	[tilespmem:$0x13400] =	vst v63  }
0x88: {  	_ =	swait.ge [sflag:s7], $0x8000  }
0x89: {  	[sflag:s7] =	ssyncset.done $0x0  }
0x8a: {  	s11 =	sadd.s32 $0x800, s29;
	[sflag:s7] =	ssyncadd.s32 $0xFFFF8000  }
0x8b: {  	[tilespmem:s9], [sflag:$0x1] =	stream.indirect.gather [hbm4b:s3+s8], $0x20, s11, s8, $0xb8;
	[tilespmem:$0x13400] =	vst v63  }
0x8c: {  	s11 =	sadd.s32 $0x880, s29  }
0x8d: {  	[tilespmem:s10], [sflag:$0x1] =	stream.indirect.gather [hbm4b:s3+s8], $0x20, s11, s8, $0xb8;
	[tilespmem:$0x13400] =	vst v63  }
0x8e: {  	s11 =	sadd.s32 $0x900, s29  }
0x8f: {  	[tilespmem:s12], [sflag:$0x1] =	stream.indirect.gather [hbm4b:s3+s8], $0x20, s11, s8, $0xb8;
	[tilespmem:$0x13400] =	vst v63  }
0x90: {  	s11 =	sadd.s32 $0x980, s29  }
0x91: {  	[tilespmem:s14], [sflag:$0x1] =	stream.indirect.gather [hbm4b:s3+s8], $0x20, s11, s8, $0xb8;
	[tilespmem:$0x13400] =	vst v63  }
0x92: {  	s11 =	sadd.s32 $0xA00, s29  }
0x93: {  	[tilespmem:s16], [sflag:$0x1] =	stream.indirect.gather [hbm4b:s3+s8], $0x20, s11, s8, $0xb8;
	[tilespmem:$0x13400] =	vst v63  }
0x94: {  	s11 =	sadd.s32 $0xA80, s29  }
0x95: {  	[tilespmem:s18], [sflag:$0x1] =	stream.indirect.gather [hbm4b:s3+s8], $0x20, s11, s8, $0xb8;
	[tilespmem:$0x13400] =	vst v63  }
0x96: {  	s11 =	sadd.s32 $0xB00, s29  }
0x97: {  	[tilespmem:s20], [sflag:$0x1] =	stream.indirect.gather [hbm4b:s3+s8], $0x20, s11, s8, $0xb8;
	[tilespmem:$0x13400] =	vst v63  }
0x98: {  	s11 =	sadd.s32 $0xB80, s29  }
0x99: {  	[tilespmem:s22], [sflag:$0x1] =	stream.indirect.gather [hbm4b:s3+s8], $0x20, s11, s8, $0xb8;
	[tilespmem:$0x13400] =	vst v63  }
0x9a: {  	_ =	swait.ge [sflag:s25], $0x8000  }
.Ltmp1:
0x9b: {  	s11 =	rddreg [dreg:$0x4];
	[sflag:s25] =	ssyncset.done $0x0;
	(pc) =	sbr.rel @p0 .LBB2_4-.Ltmp1, $4  }
0x9c: {  	[sflag:s25] =	ssyncadd.s32 $0xFFFF8000;
	s1 =	sadd.s32 s28, s11  }
0x9d: {  	[hbm4b:s1+s2] =	stream.linear.scatter [tilespmem:s23], [sflag:$0x3], $0x8000, $0x38;
	[tilespmem:$0x13400] =	vst v63  }
0x9e: {  	s30 =	smov.u32 s0;
	s28 =	smov.u32 s31;
	_ =	swait.ge [sflag:s7], $0x8000  }
0x9f: {  	s29 =	sshra.s32 s28, $0x2;
	s1 =	rddreg [dreg:$0x5];
	[sflag:s7] =	ssyncset.done $0x0  }
0xa0: {  	s0 =	sadd.s32 $0x400, s29;
	[sflag:s7] =	ssyncadd.s32 $0xFFFF8000  }
0xa1: {  	[tilespmem:s23], [sflag:$0x2] =	stream.indirect.gather [hbm4b:s3+s8], $0x20, s0, s8, $0xb8;
	[tilespmem:$0x13400] =	vst v63  }
0xa2: {  	s30 =	sadd.s32 $0x480, s29  }
0xa3: {  	[tilespmem:s1], [sflag:$0x2] =	stream.indirect.gather [hbm4b:s3+s8], $0x20, s30, s8, $0xb8;
	[tilespmem:$0x13400] =	vst v63  }
0xa4: {  	s11 =	rddreg [dreg:$0x6];
	s31 =	sadd.s32 $0x500, s29  }
0xa5: {  	[tilespmem:s11], [sflag:$0x2] =	stream.indirect.gather [hbm4b:s3+s8], $0x20, s31, s8, $0xb8;
	[tilespmem:$0x13400] =	vst v63  }
0xa6: {  	s1 =	rddreg [dreg:$0x7];
	s30 =	sadd.s32 $0x580, s29  }
0xa7: {  	[tilespmem:s1], [sflag:$0x2] =	stream.indirect.gather [hbm4b:s3+s8], $0x20, s30, s8, $0xb8;
	[tilespmem:$0x13400] =	vst v63  }
0xa8: {  	s31 =	rddreg [dreg:$0x8];
	s1 =	sadd.s32 $0x600, s29  }
0xa9: {  	[tilespmem:s31], [sflag:$0x2] =	stream.indirect.gather [hbm4b:s3+s8], $0x20, s1, s8, $0xb8;
	[tilespmem:$0x13400] =	vst v63  }
0xaa: {  	s30 =	rddreg [dreg:$0x9];
	s31 =	sadd.s32 $0x680, s29  }
0xab: {  	[tilespmem:s30], [sflag:$0x2] =	stream.indirect.gather [hbm4b:s3+s8], $0x20, s31, s8, $0xb8;
	[tilespmem:$0x13400] =	vst v63  }
0xac: {  	s11 =	rddreg [dreg:$0xa];
	s30 =	sadd.s32 $0x700, s29  }
0xad: {  	[tilespmem:s11], [sflag:$0x2] =	stream.indirect.gather [hbm4b:s3+s8], $0x20, s30, s8, $0xb8;
	[tilespmem:$0x13400] =	vst v63  }
0xae: {  	s31 =	rddreg [dreg:$0xb];
	s11 =	sadd.s32 $0x780, s29  }
0xaf: {  	[tilespmem:s31], [sflag:$0x2] =	stream.indirect.gather [hbm4b:s3+s8], $0x20, s11, s8, $0xb8;
	[tilespmem:$0x13400] =	vst v63  }
0xb0: {  	_ =	swait.ge [sflag:s24], $0x8000  }
0xb1: {  	s30 =	rddreg [dreg:$0x3];
	[sflag:s24] =	ssyncset.done $0x0  }
0xb2: {  	[sflag:s24] =	ssyncadd.s32 $0xFFFF8000;
	s0 =	sadd.s32 s28, s30  }
0xb3: {  	[hbm4b:s0+s2] =	stream.linear.scatter [tilespmem:s9], [sflag:$0x3], $0x8000, $0x38;
	[tilespmem:$0x13400] =	vst v63  }
0xb4: {  	_ =	swait.ge [sflag:s7], $0x8000  }
0xb5: {  	[sflag:s7] =	ssyncset.done $0x0  }
0xb6: {  	s31 =	sadd.s32 $0x800, s29;
	[sflag:s7] =	ssyncadd.s32 $0xFFFF8000  }
0xb7: {  	[tilespmem:s9], [sflag:$0x1] =	stream.indirect.gather [hbm4b:s3+s8], $0x20, s31, s8, $0xb8;
	[tilespmem:$0x13400] =	vst v63  }
0xb8: {  	s1 =	sadd.s32 $0x880, s29  }
0xb9: {  	[tilespmem:s10], [sflag:$0x1] =	stream.indirect.gather [hbm4b:s3+s8], $0x20, s1, s8, $0xb8;
	[tilespmem:$0x13400] =	vst v63  }
0xba: {  	s11 =	sadd.s32 $0x900, s29  }
0xbb: {  	[tilespmem:s12], [sflag:$0x1] =	stream.indirect.gather [hbm4b:s3+s8], $0x20, s11, s8, $0xb8;
	[tilespmem:$0x13400] =	vst v63  }
0xbc: {  	s30 =	sadd.s32 $0x980, s29  }
0xbd: {  	[tilespmem:s14], [sflag:$0x1] =	stream.indirect.gather [hbm4b:s3+s8], $0x20, s30, s8, $0xb8;
	[tilespmem:$0x13400] =	vst v63  }
0xbe: {  	s31 =	sadd.s32 $0xA00, s29  }
0xbf: {  	[tilespmem:s16], [sflag:$0x1] =	stream.indirect.gather [hbm4b:s3+s8], $0x20, s31, s8, $0xb8;
	[tilespmem:$0x13400] =	vst v63  }
0xc0: {  	s1 =	sadd.s32 $0xA80, s29  }
0xc1: {  	[tilespmem:s18], [sflag:$0x1] =	stream.indirect.gather [hbm4b:s3+s8], $0x20, s1, s8, $0xb8;
	[tilespmem:$0x13400] =	vst v63  }
0xc2: {  	s11 =	sadd.s32 $0xB00, s29  }
0xc3: {  	[tilespmem:s20], [sflag:$0x1] =	stream.indirect.gather [hbm4b:s3+s8], $0x20, s11, s8, $0xb8;
	[tilespmem:$0x13400] =	vst v63  }
0xc4: {  	s30 =	sadd.s32 $0xB80, s29  }
0xc5: {  	[tilespmem:s22], [sflag:$0x1] =	stream.indirect.gather [hbm4b:s3+s8], $0x20, s30, s8, $0xb8;
	[tilespmem:$0x13400] =	vst v63  }
0xc6: {  	_ =	swait.ge [sflag:s25], $0x8000  }
0xc7: {  	s31 =	rddreg [dreg:$0x4];
	[sflag:s25] =	ssyncset.done $0x0  }
0xc8: {  	[sflag:s25] =	ssyncadd.s32 $0xFFFF8000;
	s0 =	sadd.s32 s28, s31  }
0xc9: {  	[hbm4b:s0+s2] =	stream.linear.scatter [tilespmem:s23], [sflag:$0x3], $0x8000, $0x38;
	[tilespmem:$0x13400] =	vst v63  }
0xca: {  	_ =	swait.ge [sflag:s7], $0x8000  }
0xcb: {  	[sflag:s7] =	ssyncset.done $0x0  }
0xcc: {  	[sflag:s7] =	ssyncadd.s32 $0xFFFF8000  }
0xcd: {  	s26 =	sadd.s32 $0x1, s26;
	_ =	swait.ge [sflag:s24], $0x8000  }
0xce: {  	p0 =	sne.s32 s26, s6;
	[sflag:s24] =	ssyncset.done $0x0  }
.Ltmp2:
0xcf: {  	[sflag:s24] =	ssyncadd.s32 $0xFFFF8000;
	(pc) =	sbr.rel @p0 .LBB2_1-.Ltmp2, $4  }
0xd0: {  	[hbm4b:s5+s2] =	stream.linear.scatter [tilespmem:s9], [sflag:$0x3], $0x8000, $0x38;
	[tilespmem:$0x13400] =	vst v63  }
0xd1: {  	_ =	swait.ge [sflag:s7], $0x8000  }
0xd2: {  	[sflag:s7] =	ssyncset.done $0x0  }
0xd3: {  	[sflag:s7] =	ssyncadd.s32 $0xFFFF8000  }
0xd4: {  	_ =	sfence.sel $0x180000  }
0xd5: {  	[bflag:$0x0] =	sbarrier.arrive $0xFFFF  }
0xd6: {  	_ =	strace $0x90000047  }
0xd7: {  	s0 =	stileid.u32;
	[bflag:$0x2] =	sbarrier.arrive $0xFFFF  }
0xd8: {  	p0 =	sne.s32 s0, $0x0;
	s0 =	rddreg [dreg:$0x2]  }
0xd9: {  	s0 =	sadd.s32 @!p0 $0x100000, s0  }
0xda: {  	[sflag:s0] =	ssyncadd.tile.s32 @!p0 $0x1;
	_ =	shalt  }
.Lfunc_end2:
_tile_overlayer_lowered:
.L_overlay_start_2:
0xdb: {  	(tag) =	ssettag $0x2  }
0xdc: {  	s0 =	rddreg [dreg:$0x0];
	s2 =	stileid.u32  }
0xdd: {  	s1 =	rddreg [dreg:$0x1];
	p0 =	sne.s32 s2, $0x0  }
0xde: {  	s3 =	rddreg [dreg:$0x2];
	[bflag:$0x3] =	sbarrier.arrive $0xFFFF;
	s2 =	simm.s32 @!p0 $0x1C03  }
0xdf: {  	[timem:s3], [sflag:s2] =	dma.local @!p0 [hbm:s0], s1  }
0xe0: {  	s0 =	simm.s32 @!p0 $0x3  }
0xe1: {  	_ =	swait.ge @!p0 [sflag:s0], s1  }
0xe2: {  	s1 =	ssub.s32 @!p0 $0x0, s1;
	[sflag:s0] =	ssyncset.done @!p0 $0x0  }
0xe3: {  	[sflag:s0] =	ssyncadd.s32 @!p0 s1  }
0xe4: {  	[bflag:$0x3] =	sbarrier.arrive $0xFFFF  }
0xe5: {  	_ =	shalt  }

// kernel: sparse-core-data-format-call.cloned.1.call-start
scs
called_computation_lowered:
.L_overlay_start_0:
0x0: {  	s2 =	sld [smem:$0x3FD9]  }
0x1: {  	s3 =	sld [smem:$0x3FFE];
	_ =	sdelay $0x1  }
0x2: {  	s1 =	srdreg.scid  }
0x3: {  	s0 =	sand.u32 $0x1, s1  }
0x4: {  	s18 =	sshll.u32 s0, $0xA;
	s2 =	sadd.s32 s3, s2  }
0x5: {  	s2 =	sadd.s32 s2, s18  }
0x6: {  	[smem:$0x3FC6] =	sst s2  }
0x7: {  	_ = 	snop  }
0x8: {  	s2 =	sld [smem:$0x3FD0];
	(tm) =	ssettm $0x1  }
0x9: {  	s19 =	sld [smem:$0x3FFB];
	_ =	sdelay $0x3  }
0xa: {  	_ =	strace s19  }
0xb: {  	s3 =	sld [smem:$0x3FFC];
	_ =	sdelay $0x3  }
0xc: {  	_ =	strace s3  }
0xd: {  	s3 =	sld [smem:$0x3FFD];
	_ =	sdelay $0x3  }
0xe: {  	_ =	strace s3  }
0xf: {  	_ =	strace $0x8FFFFFFF  }
0x10: {  	s20 =	sld [smem:$0x3FDB];
	_ =	sdelay $0x1  }
0x11: {  	s4 =	simm.s32 $_scs_section_size  }
0x12: {  	s5 =	simm.s32 $_size__tile_overlayer_lowered;
	s6 =	simm.s32 $_tile_overlayer_lowered  }
0x13: {  	s23 =	simm.s32 $0x1BFF;
	s22 =	sshll.u32 s6, $0x1;
	s3 =	sadd.s32 s4, s20  }
0x14: {  	s7 =	simm.s32 $0x0;
	s21 =	sshll.u32 s5, $0x1;
	s5 =	sadd.s32 s22, s3  }
0x15: {  	[timem:s7], [sflag:s23] =	dma.local [hbm:s5], s21  }
0x16: {  	_ =	swait.ge [sflag:s23], s21  }
0x17: {  	s4 =	ssub.s32 $0x0, s21;
	[sflag:s23] =	ssyncset.done $0x0  }
0x18: {  	[sflag:s23] =	ssyncadd.s32 s4;
	_ =	sdelay $0x1  }
0x19: {  	s24 =	simm.s32 $0x1B8B  }
0x1a: {  	_ =	swait.ge [sflag:s24], $0x1  }
0x1b: {  	[sflag:s24] =	ssyncset.done $0x0  }
0x1c: {  	s26 =	simm.s32 $0x1B8E;
	s25 =	sld [smem:$0x3FFE];
	[sflag:s24] =	ssyncadd.s32 $0xFFFFFFFF  }
0x1d: {  	s27 =	simm.s32 $execute0_lowered;
	[smem:$0x3FD2] =	sst s26  }
0x1e: {  	s5 =	sshll.u32 s27, $0x1;
	_ =	strace $0x80000049;
	[dreg:$0x1] =	wrdreg $0xFFFFFFFF  }
0x1f: {  	s28 =	simm.s32 $_size_execute0_lowered;
	s3 =	sadd.s32 s3, s5;
	[dreg:$0x0] =	wrdreg $0x0  }
0x20: {  	s5 =	sshll.u32 s28, $0x1;
	[dreg:$0x2] =	wrdreg s3  }
0x21: {  	[dreg:$0x3] =	wrdreg s5  }
0x22: {  	[dreg:$0x4] =	wrdreg $0xC0  }
0x23: {  	_ =	task [dreg:s7], $0x5FFFF  }
0x24: {  	[dreg:$0x1] =	wrdreg $0xFFFFFFFF  }
0x25: {  	[dreg:$0x0] =	wrdreg $0x60  }
0x26: {  	[dreg:$0x2] =	wrdreg s25  }
0x27: {  	[dreg:$0x3] =	wrdreg s2  }
0x28: {  	[dreg:$0x4] =	wrdreg $0x9  }
0x29: {  	_ =	task.clear_ibuf [dreg:s7], $0x5FFFF;
	_ =	strace $0x90000049  }
0x2a: {  	s29 =	simm.s32 $0x9;
	_ =	strace $0x8000004B  }
0x2b: {  	_ =	swait.ge [sflag:s29], $0x1  }
0x2c: {  	[sflag:s29] =	ssyncadd.s32 $0xFFFFFFFF  }
0x2d: {  	_ =	strace $0x9000004B  }
0x2e: {  	_ =	sfence  }
0x2f: {  	s30 =	sld [smem:$0x0];
	_ =	sdelay $0x2  }
0x30: {  	s31 =	sshll.u32 s1, $0xD;
	s1 =	sshrl.u32 s1, $0x2  }
0x31: {  	s3 =	sand.u32 $0x4000, s31;
	s1 =	sadd.s32 s1, s30  }
0x32: {  	s0 =	sor.u32 s3, s0;
	s1 =	sshll.u32 s1, $0x11  }
0x33: {  	s0 =	sor.u32 s1, s0  }
0x34: {  	s0 =	sadd.s32 $0x8F2B, s0  }
0x35: {  	[sflag:s0] =	ssyncadd.remote.s32 $0x1  }
0x36: {  	_ =	sfence.sel $0xFFFF  }
0x37: {  	[dreg:$0x0] =	wrdreg $0xFFFFFFFF;
	(pc) =	sbr.abs _section_cstart, $3  }
0x38: {  	[dreg:$0x1] =	wrdreg $0xFFFFFFFF  }
0x39: {  	_ =	task.clear_ibuf [dreg:s7], $0x2FFFF;
	_ =	strace $0x9FFFFFFF  }
0x3a: {  	(tm) =	ssettm $0x7FFFFFFF  }
0x3b: {  	_ =	shalt  }
tec
execute0_lowered:
.L_overlay_start_1:
0x0: {  	(tag) =	ssettag $0x1  }
0x1: {  	s0 =	srdreg.scid  }
0x2: {  	s1 =	sshll.u32 s0, $0x4  }
0x3: {  	s0 =	stileid.u32;
	s1 =	sand.u32 $0x10, s1  }
0x4: {  	s1 =	sor.u32 s0, s1  }
0x5: {  	s6 =	rddreg [dreg:$0x0];
	s4 =	simm.s32 $0x1;
	s2 =	sshll.u32 s1, $0x7  }
0x6: {  	s7 =	simm.s32 $0x2;
	s12 =	simm.s32 $0x0;
	s1 =	ssub.s32 $0x4000, s2  }
0x7: {  	s8 =	simm.s32 $0x20000;
	s13 =	simm.s32 $0x0;
	s3 =	sand.u32 $0xF80, s1  }
0x8: {  	s9 =	simm.s32 $0x0;
	s5 =	sshrl.u32 s1, $0xC;
	p0 =	sne.s32 s3, $0x0  }
.Ltmp0:
0x9: {  	s1 =	rddreg [dreg:$0x2];
	s4 =	simm.s32 @!p0 $0x0;
	(pc) =	sbr.rel .LBB1_1-.Ltmp0, $4  }
0xa: {  	s11 =	simm.s32 $0x0;
	s3 =	rddreg [dreg:$0x1];
	s5 =	sadd.s32 s4, s5  }
0xb: {  	_ =	strace $0x8000004A;
	s4 =	simm.s32 $0x1;
	s5 =	smul.u32 $0x1A, s5  }
0xc: {  	s6 =	sadd.s32 $0xA00, s6;
	s10 =	smov.u32 s2;
	[sflag:s4] =	ssyncpa.u1 $0x0  }
0xd: {  	p0 =	por $0x0, $0x0;
	[sflag:s7] =	ssyncpa.u1 $0x0;
	s7 =	sor.u32 $0x1, s5  }
.LBB1_4:
0xe: {  	s16 =	sshll.u32 s13, $0x3;
	s17 =	sand.u32 $0x78, s13  }
0xf: {  	s30 =	sand.u32 $0xF800, s13;
	s12 =	sshll.u32 s12, $0x10;
	s16 =	sand.u32 $0x3C00, s16  }
0x10: {  	s31 =	sand.u32 $0x7, s13;
	s16 =	sor.u32 s17, s16;
	s17 =	sadd.s32 s3, s30  }
0x11: {  	s13 =	sshll.u32 s31, $0x12;
	s16 =	sshrl.u32 s16, $0x3;
	s12 =	sadd.s32 s12, s17  }
0x12: {  	[tilespmem:s15+$0x0 ss:$0x81] =	vst.msk $0xffff, v0;
	s13 =	sor.u32 $0x400, s13;
	s12 =	sadd.s32 s16, s12  }
0x13: {  	[hbm4b:s12+s13] =	stream.strided.scatter [tilespmem:s14], [sflag:$0x2], $0x1000, s8, s13, $0x20;
	[tilespmem:$0x4040] =	vst v63  }
.LBB1_5:
0x14: {  	s14 =	sadd.s32 $0x1, s9  }
0x15: {  	s12 =	sadd.s32 $0x1000, s10;
	s16 =	smov.u32 s10;
	p2 =	sgt.s32 s14, $0x19  }
0x16: {  	s16 =	smov.u32 @p2 s12  }
0x17: {  	s14 =	simm.s32 @p2 $0x0;
	p2 =	sgt.s32 s16, $0x3FFF  }
0x18: {  	s16 =	smov.u32 @p2 s2;
	p2 =	sne.s32 s11, s7  }
.Ltmp1:
0x19: {  	p1 =	slt.u32 s11, $0x2;
	(pc) =	sbr.rel @!p2 .LBB1_6-.Ltmp1, $4  }
0x1a: {  	s15 =	simm.s32 @!p1 $0x2  }
0x1b: {  	s13 =	smov.u32 s10;
	p0 =	por !p0, !p0;
	_ =	swait.ge @!p1 [sflag:s15], $0x1000  }
0x1c: {  	s12 =	smov.u32 s9;
	[sflag:s15] =	ssyncset.done @!p1 $0x0;
	s9 =	smov.u32 s14  }
0x1d: {  	s11 =	sadd.s32 $0x1, s11;
	[sflag:s15] =	ssyncadd.s32 @!p1 $0xFFFFF000;
	s10 =	smov.u32 s16  }
.LBB1_1:
0x1e: {  	p1 =	sge.u32 s11, s5  }
0x1f: {  	s31 =	sadd.s32 $0xFFFFFFFF, s11;
	s14 =	sxor.u32 @!p1 $0xFFFFFFFF, s11  }
0x20: {  	s15 =	sshll.u32 @!p1 s10, $0x9;
	s16 =	sshll.u32 @!p1 s9, $0x4;
	s17 =	simm.s32 @!p1 $0x1000  }
0x21: {  	s14 =	sshll.u32 @!p1 s14, $0xC;
	s16 =	sand.u32 @!p1 $0x1F0, s16;
	s15 =	sadd.s32 @!p1 s6, s15  }
0x22: {  	s14 =	sand.u32 @!p1 $0x1000, s14;
	s15 =	sadd.s32 @!p1 s16, s15;
	s16 =	simm.s32 @!p1 $0x20  }
0x23: {  	[tilespmem:s14], [sflag:$0x1] =	stream.strided.gather @!p1 [hbm4b:s15+s16], $0x1000, s17, s16, $0x38;
	[tilespmem:$0x4040] =	vst v63  }
0x24: {  	p1 =	sge.u32 s31, s5  }
.Ltmp2:
0x25: {  	_ = 	snop;
	(pc) =	sbr.rel @p1 .LBB1_5-.Ltmp2, $1  }
0x26: {  	_ =	sdelay $0x3  }
0x27: {  	s14 =	simm.s32 $0x1  }
0x28: {  	_ =	swait.ge [sflag:s4], $0x1000;
	s14 =	simm.s32 @!p0 $0x0  }
0x29: {  	[sflag:s4] =	ssyncset.done $0x0;
	s15 =	sshll.u32 s14, $0xC  }
0x2a: {  	[sflag:s4] =	ssyncadd.s32 $0xFFFFF000;
	s18 =	sor.u32 $0x10, s15  }
0x2b: {  	s14 =	smul.u32 $0x4080, s14;
	v1 =	vld [tilespmem:s18+$0x0]  }
0x2c: {  	s30 =	sand.u32 $0x1, s11;
	v0 =	vld [tilespmem:s18+$0xFFFFFFF0]  }
0x2d: {  	s15 =	smul.u32 $0x4080, s30;
	s14 =	sshrl.u32 s14, $0x2  }
0x2e: {  	s16 =	sor.u32 $0x2000, s14  }
0x2f: {  	s31 =	sshrl.u32 s15, $0x2;
	s15 =	sadd.s32 $0x0, s16  }
0x30: {  	s17 =	simm.s32 $0x4;
	s18 =	sadd.s32 $0x20, s18;
	s14 =	sor.u32 $0x2000, s31;
	[tilespmem:s15+$0x810 ss:$0x81] =	vst.msk $0xffff, v1  }
.LBB1_3:
0x31: {  	v1 =	vld [tilespmem:s18+$0x0];
	p1 =	sne.s32 s17, $0x1FC;
	[tilespmem:s15+$0x0 ss:$0x81] =	vst.msk $0xffff, v0;
	s15 =	smov.u32 s17;
	s17 =	sadd.s32 $0x4, s17  }
.Ltmp3:
0x32: {  	v0 =	vld [tilespmem:s18+$0xFFFFFFF0];
	(pc) =	sbr.rel @p1 .LBB1_3-.Ltmp3, $4  }
0x33: {  	_ = 	snop  }
0x34: {  	s15 =	sshra.s32 s15, $0x2  }
0x35: {  	s15 =	sadd.s32 s15, s16  }
0x36: {  	s18 =	sadd.s32 $0x20, s18;
	[tilespmem:s15+$0x810 ss:$0x81] =	vst.msk $0xffff, v1  }
.Ltmp4:
0x37: {  	_ = 	snop;
	(pc) =	sbr.rel .LBB1_4-.Ltmp4, $1  }
0x38: {  	_ =	sdelay $0x3  }
.LBB1_6:
0x39: {  	_ =	sfence.sel $0x180000  }
0x3a: {  	s2 =	simm.s32 $0x1;
	[bflag:$0x0] =	sbarrier.arrive $0xFFFF  }
0x3b: {  	s31 =	simm.s32 $0x2;
	[sflag:s2] =	ssyncpa.u1 $0x1  }
0x3c: {  	[sflag:s31] =	ssyncpa.u1 $0x1  }
0x3d: {  	p0 =	sne.s32 s0, $0x0;
	_ =	strace $0x9000004A  }
0x3e: {  	s0 =	sadd.s32 @!p0 $0x100000, s1;
	[bflag:$0x2] =	sbarrier.arrive $0xFFFF  }
0x3f: {  	[sflag:s0] =	ssyncadd.tile.s32 @!p0 $0x1;
	_ =	shalt  }
.Lfunc_end1:
_tile_overlayer_lowered:
.L_overlay_start_2:
0x40: {  	(tag) =	ssettag $0x2  }
0x41: {  	s0 =	rddreg [dreg:$0x0];
	s2 =	stileid.u32  }
0x42: {  	s1 =	rddreg [dreg:$0x1];
	p0 =	sne.s32 s2, $0x0  }
0x43: {  	s3 =	rddreg [dreg:$0x2];
	[bflag:$0x3] =	sbarrier.arrive $0xFFFF;
	s2 =	simm.s32 @!p0 $0x1C01  }
0x44: {  	[timem:s3], [sflag:s2] =	dma.local @!p0 [hbm:s0], s1  }
0x45: {  	s0 =	simm.s32 @!p0 $0x1  }
0x46: {  	_ =	swait.ge @!p0 [sflag:s0], s1  }
0x47: {  	s1 =	ssub.s32 @!p0 $0x0, s1;
	[sflag:s0] =	ssyncset.done @!p0 $0x0  }
0x48: {  	[sflag:s0] =	ssyncadd.s32 @!p0 s1  }
0x49: {  	[bflag:$0x3] =	sbarrier.arrive $0xFFFF  }
0x4a: {  	_ =	shalt  }

</sc_bundles>
